<compile_context>
chip_gen: v7x
topology: tpu7x:2x2x1
jax: 0.10.2.dev20260603
libtpu: 0.0.44.dev20260713+nightly
codegen_flags: <defaults>
</compile_context>

<pallas_src>
import functools

import jax
import jax.numpy as jnp
from jax import lax
from jax.experimental import pallas as pl
from jax.experimental.pallas import tpu as pltpu
from jax.experimental.pallas import tpu_sc as plsc

_ACT = 2
_LANES = 16


def _mega_kernel(h_ref, wq_ref, wk_ref, wv_ref, x_ref,
                 simt_ref, att_ref, w_s, z_s):
    b = pl.program_id(0)
    s = pl.program_id(1)
    nb = pl.num_programs(0)
    ns = pl.num_programs(1)
    n_k = w_s.shape[0]

    @pl.when((b == 0) & (s == 0))
    def _():
        for k in range(n_k):
            q = jnp.dot(h_ref[k], wq_ref[k],
                        preferred_element_type=jnp.float32)
            w_s[pl.ds(k, 1), :] = jax.lax.dot_general(
                q, wk_ref[k], (((1,), (1,)), ((), ())),
                preferred_element_type=jnp.float32)

    w = w_s[...]
    x = x_ref[0]
    simt = jax.lax.dot_general(w, x, (((1,), (1,)), ((), ())),
                               preferred_element_type=jnp.float32)
    simt_ref[0] = simt
    zc = jnp.dot(simt, x, preferred_element_type=jnp.float32)

    @pl.when(s == 0)
    def _():
        z_s[b] = zc

    @pl.when(s > 0)
    def _():
        z_s[b] += zc

    @pl.when((b == nb - 1) & (s == ns - 1))
    def _():
        for k in range(n_k):
            att_ref[:, k, :] = jnp.dot(
                z_s[:, k, :], wv_ref[k],
                preferred_element_type=jnp.float32)


def _make_sc_topk(B, K, H):
    mesh = plsc.VectorSubcoreMesh(
        core_axis_name="c", subcore_axis_name="s", num_cores=1)

    @functools.partial(
        pl.kernel,
        mesh=mesh,
        compiler_params=pltpu.CompilerParams(needs_layout_passes=False),
        out_type=[
            jax.ShapeDtypeStruct((B, _LANES), jnp.float32),
            jax.ShapeDtypeStruct((B, _LANES), jnp.int32),
            jax.ShapeDtypeStruct((B * K, H), jnp.float32),
        ],
        scratch_types=[
            pltpu.VMEM((_LANES,), jnp.float32),
            pltpu.VMEM((_LANES,), jnp.float32),
            pltpu.VMEM((_LANES,), jnp.int32),
            pltpu.VMEM((H,), jnp.float32),
        ],
    )
    def sc_topk(ns_hbm, tv_hbm, ti_hbm, mask_hbm, v_v, tv_v, ti_v, m_v):
        sid = lax.axis_index("s")
        n_sub = 16

        def _row(wid):
            b = wid // K
            k = wid % K
            pltpu.sync_copy(ns_hbm.at[b], v_v)
            v = v_v[...]
            ki = lax.iota(jnp.int32, _LANES)
            def _rank_step(j, acc):
                vj = v.at[jnp.full((_LANES,), j, jnp.int32)].get(
                    mode="promise_in_bounds")
                cond = (vj < v) | ((vj == v) & (ki > j))
                return acc + cond.astype(jnp.int32)

            rank = lax.fori_loop(
                0, _LANES, _rank_step, jnp.zeros((_LANES,), jnp.int32))

            @pl.when(k == 0)
            def _():
                plsc.store_scatter(tv_v, [rank], v)
                plsc.store_scatter(ti_v, [rank], ki)
                pltpu.sync_copy(tv_v, tv_hbm.at[b])
                pltpu.sync_copy(ti_v, ti_hbm.at[b])

            sel = (rank < _ACT).astype(jnp.float32)
            splat = sel.at[jnp.full((_LANES,), k, jnp.int32)].get(
                mode="promise_in_bounds")

            def _fill_step(h, _):
                m_v[pl.ds(h * _LANES, _LANES)] = splat
                return 0

            lax.fori_loop(0, H // _LANES, _fill_step, 0)
            pltpu.sync_copy(m_v, mask_hbm.at[wid])

        for r in range((B * K + n_sub - 1) // n_sub):
            _row(sid + r * n_sub)

    return sc_topk


def kernel(input, rim_hidden, Wq, Wk, Wv):
    B, S, D = input.shape
    K, H = rim_hidden.shape
    A = Wq.shape[2]
    BS = 2048
    ns = S // BS

    null_sim16 = jnp.concatenate(
        [jnp.zeros((B, K), jnp.float32),
         jnp.full((B, _LANES - K), jnp.inf, jnp.float32)], axis=1)

    tv16, ti16, mask_rows = _make_sc_topk(B, K, H)(null_sim16)
    topk_vals = tv16[:, :_ACT]
    topk_idx = ti16[:, :_ACT]
    update_mask = mask_rows.reshape(B, K, H)

    h3 = rim_hidden.reshape(K, 1, H)

    simt, att = pl.pallas_call(
        _mega_kernel,
        grid=(B, ns),
        in_specs=[
            pl.BlockSpec((K, 1, H), lambda b, s: (0, 0, 0)),
            pl.BlockSpec((K, H, A), lambda b, s: (0, 0, 0)),
            pl.BlockSpec((K, D, A), lambda b, s: (0, 0, 0)),
            pl.BlockSpec((K, D, A), lambda b, s: (0, 0, 0)),
            pl.BlockSpec((1, BS, D), lambda b, s: (b, s, 0)),
        ],
        out_specs=[
            pl.BlockSpec((1, K, BS), lambda b, s: (b, 0, s)),
            pl.BlockSpec((B, K, A), lambda b, s: (0, 0, 0)),
        ],
        out_shape=[
            jax.ShapeDtypeStruct((B, K, S), jnp.float32),
            jax.ShapeDtypeStruct((B, K, A), jnp.float32),
        ],
        scratch_shapes=[
            pltpu.VMEM((K, D), jnp.float32),
            pltpu.VMEM((B, K, D), jnp.float32),
        ],
    )(h3, Wq, Wk, Wv, input)

    sim = jnp.concatenate(
        [simt, jnp.zeros((B, K, 1), jnp.float32)], axis=2)

    return (att, sim, topk_vals, topk_idx, update_mask)

# --- scband reference (transcript-rebuilt; emitter-appended) ---
"""Pipeline reference for scband-rimmodule-76690936037487 (READ-ONLY COPY).

The authoritative reference and input builder live on the scoring server;
editing this copy changes nothing except your own understanding.
"""

import jax, jax.numpy as jnp
import numpy as np

B = 4
S = 2048
D = 1024   # input_dim
H = 1024   # hidden_state_size
K = 8      # num_kernels
A = 256    # attended_input_dim
ACT = 2    # active_kernels


def setup_inputs(seed: int = 0) -> dict:
    key = jax.random.key(seed)
    k1, k2, k3, k4, k5 = jax.random.split(key, 5)
    return {
        "input": jax.random.normal(k1, (B, S, D), dtype=jnp.float32),
        # rim hidden states (module state set via reset(); random init so the
        # attention/gating math is non-degenerate)
        "rim_hidden": jax.random.normal(k2, (K, H), dtype=jnp.float32) * 0.02,
        # torch.rand init -> uniform [0, 1)
        "Wq": jax.random.uniform(k3, (K, H, A), dtype=jnp.float32),
        "Wk": jax.random.uniform(k4, (K, D, A), dtype=jnp.float32),
        "Wv": jax.random.uniform(k5, (K, D, A), dtype=jnp.float32),
    }


def reference(input, rim_hidden, Wq, Wk, Wv):
    # null token appended to sequence
    null_t = jnp.zeros((input.shape[0], 1, input.shape[2]), dtype=input.dtype)
    x = jnp.concatenate([input, null_t], axis=1)  # B x (S+1) x D

    # queries = hidden.unsqueeze(1) @ Wq -> K x A
    queries = jnp.squeeze(jnp.matmul(rim_hidden[:, None, :], Wq), axis=1)

    # values / keys: B x K x (S+1) x A
    values = jnp.matmul(x[:, None, :, :], Wv)
    keys = jnp.matmul(x[:, None, :, :], Wk)

    # expand queries over batch: B x K x A
    eq = jnp.broadcast_to(queries[None, :, :], (x.shape[0], queries.shape[0], queries.shape[1]))

    # attention similarity: B x K x (S+1)
    sim = jnp.squeeze(jnp.matmul(keys, eq[..., None]), axis=-1)

    # top-k over kernels on similarity of the null token, largest=False (smallest)
    neg_vals, topk_idx = jax.lax.top_k(-sim[:, :, -1], ACT)
    topk_vals = -neg_vals

    # update mask: B x K x H, rows of selected kernels filled with 1
    bidx = jnp.arange(sim.shape[0])[:, None]
    update_mask = jnp.zeros((sim.shape[0], K, H), dtype=jnp.float32).at[bidx, topk_idx].set(1.0)

    # attended input (per docstring): value^T @ sim -> B x K x A
    attended = jnp.squeeze(jnp.matmul(jnp.swapaxes(values, -1, -2), sim[..., None]), axis=-1)

    return (attended, sim, topk_vals, topk_idx, update_mask)

if __name__ == "__main__":
    import jax
    _d = setup_inputs()
    print(jax.jit(kernel)(*tuple(_d.values())))

</pallas_src>

<mosaic_0001>
#map = affine_map<(d0, d1) -> (0, 0)>
module attributes {stable_mosaic.version = 14 : i64} {
  func.func @sc_topk(%arg0: i32, %arg1: i32, %arg2: memref<4x16xf32, #tpu.memory_space<hbm>>, %arg3: memref<4x16xf32, #tpu.memory_space<hbm>>, %arg4: memref<4x16xi32, #tpu.memory_space<hbm>>, %arg5: memref<32x1024xf32, #tpu.memory_space<hbm>>, %arg6: memref<16xf32, #tpu.memory_space<vmem>>, %arg7: memref<16xf32, #tpu.memory_space<vmem>>, %arg8: memref<16xi32, #tpu.memory_space<vmem>>, %arg9: memref<1024xf32, #tpu.memory_space<vmem>>) attributes {dimension_semantics = [#tpu.dimension_semantics<core_parallel>, #tpu.dimension_semantics<subcore_parallel>], iteration_bounds = array<i64: 1, 16>, scalar_prefetch = 0 : i64, scratch_operands = 4 : i64, tpu.core_type = #tpu.core_type<sc_vector_subcore>, window_params = [{transform_indices = #map}, {transform_indices = #map}, {transform_indices = #map}, {transform_indices = #map}]} {
    %add3A = arith.constant 0 : i32
    %add3A_0 = arith.addi %arg1, %add3A : i32
    %jit3A = arith.constant 8 : i32
    %div3A = arith.divsi %add3A_0, %jit3A : i32
    %sign3A = arith.constant 0 : i32
    %sign3A_1 = arith.cmpi sgt, %add3A_0, %sign3A : i32
    %sign3A_2 = arith.extui %sign3A_1 : i1 to i32
    %sign3A_3 = arith.constant 0 : i32
    %sign3A_4 = arith.cmpi slt, %add3A_0, %sign3A_3 : i32
    %sign3A_5 = arith.extui %sign3A_4 : i1 to i32
    %sign3A_6 = arith.subi %sign3A_2, %sign3A_5 : i32
    %sign3A_7 = arith.constant 0 : i32
    %sign3A_8 = arith.cmpi sgt, %jit3A, %sign3A_7 : i32
    %sign3A_9 = arith.extui %sign3A_8 : i1 to i32
    %sign3A_10 = arith.constant 0 : i32
    %sign3A_11 = arith.cmpi slt, %jit3A, %sign3A_10 : i32
    %sign3A_12 = arith.extui %sign3A_11 : i1 to i32
    %sign3A_13 = arith.subi %sign3A_9, %sign3A_12 : i32
    %ne3A = arith.cmpi ne, %sign3A_6, %sign3A_13 : i32
    %rem3A = arith.remsi %add3A_0, %jit3A : i32
    %ne3A_14 = arith.constant 0 : i32
    %ne3A_15 = arith.cmpi ne, %rem3A, %ne3A_14 : i32
    %and3A = arith.andi %ne3A, %ne3A_15 : i1
    %sub3A = arith.constant 1 : i32
    %sub3A_16 = arith.subi %div3A, %sub3A : i32
    %select_n3A = arith.select %and3A, %sub3A_16, %div3A : i32
    %jit3A_17 = arith.constant 8 : i32
    %eq3A = arith.constant 0 : i32
    %eq3A_18 = arith.cmpi eq, %jit3A_17, %eq3A : i32
    %jit3A_19 = arith.constant 1 : i32
    %select_n3A_20 = arith.select %eq3A_18, %jit3A_19, %jit3A_17 : i32
    %rem3A_21 = arith.remsi %add3A_0, %select_n3A_20 : i32
    %ne3A_22 = arith.constant 0 : i32
    %ne3A_23 = arith.cmpi ne, %rem3A_21, %ne3A_22 : i32
    %lt3A = arith.constant 0 : i32
    %lt3A_24 = arith.cmpi slt, %rem3A_21, %lt3A : i32
    %lt3A_25 = arith.constant 0 : i32
    %lt3A_26 = arith.cmpi slt, %select_n3A_20, %lt3A_25 : i32
    %ne3A_27 = arith.xori %lt3A_24, %lt3A_26 : i1
    %and3A_28 = arith.andi %ne3A_27, %ne3A_23 : i1
    %add3A_29 = arith.addi %rem3A_21, %select_n3A_20 : i32
    %select_n3A_30 = arith.select %and3A_28, %add3A_29, %rem3A_21 : i32
    "tpu.region"() ({
      %run_scoped3A = tpu.sem_alloc : memref<!tpu.dma_semaphore, #tpu.memory_space<semaphore_mem>>
      %dma_start3A = arith.constant 0 : i32
      %dma_start3A_144 = tpu.memref_slice %arg2[%select_n3A, %dma_start3A] : memref<4x16xf32, #tpu.memory_space<hbm>> -> memref<1x16xf32, #tpu.memory_space<hbm>>
      %dma_start3A_145 = tpu.memref_squeeze %dma_start3A_144 : memref<1x16xf32, #tpu.memory_space<hbm>> -> memref<16xf32, #tpu.memory_space<hbm>>
      %dma_start3A_146 = arith.constant 0 : i32
      %dma_start3A_147 = tpu.memref_slice %arg2[%select_n3A, %dma_start3A_146] : memref<4x16xf32, #tpu.memory_space<hbm>> -> memref<1x16xf32, #tpu.memory_space<hbm>>
      %dma_start3A_148 = tpu.memref_squeeze %dma_start3A_147 : memref<1x16xf32, #tpu.memory_space<hbm>> -> memref<16xf32, #tpu.memory_space<hbm>>
      tpu.enqueue_dma source(%dma_start3A_148 : memref<16xf32, #tpu.memory_space<hbm>>) target(%arg6 : memref<16xf32, #tpu.memory_space<vmem>>) target_semaphore(%run_scoped3A : memref<!tpu.dma_semaphore, #tpu.memory_space<semaphore_mem>>)
      %dma_wait3A = arith.constant 0 : i32
      %dma_wait3A_149 = tpu.memref_slice %arg2[%select_n3A, %dma_wait3A] : memref<4x16xf32, #tpu.memory_space<hbm>> -> memref<1x16xf32, #tpu.memory_space<hbm>>
      %dma_wait3A_150 = tpu.memref_squeeze %dma_wait3A_149 : memref<1x16xf32, #tpu.memory_space<hbm>> -> memref<16xf32, #tpu.memory_space<hbm>>
      %dma_wait3A_151 = arith.constant 0 : i32
      %dma_wait3A_152 = tpu.memref_slice %arg2[%select_n3A, %dma_wait3A_151] : memref<4x16xf32, #tpu.memory_space<hbm>> -> memref<1x16xf32, #tpu.memory_space<hbm>>
      %dma_wait3A_153 = tpu.memref_squeeze %dma_wait3A_152 : memref<1x16xf32, #tpu.memory_space<hbm>> -> memref<16xf32, #tpu.memory_space<hbm>>
      tpu.wait_dma2 semaphore(%run_scoped3A : memref<!tpu.dma_semaphore, #tpu.memory_space<semaphore_mem>>) src(%dma_wait3A_153 : memref<16xf32, #tpu.memory_space<hbm>>) dst(%arg6 : memref<16xf32, #tpu.memory_space<vmem>>)
      tpu.yield
    }) : () -> ()
    %get3A = arith.constant 0 : index
    %get3A_31 = tpu.vector_load %arg6[%get3A] {strides = array<i32>} : memref<16xf32, #tpu.memory_space<vmem>>, vector<16xf32>,
    %iota3A = tpu.iota {dimensions = array<i32: 0>} : vector<16xi32>
    %broadcast_in_dim3A = arith.constant 0 : i32
    %broadcast_in_dim3A_32 = vector.broadcast %broadcast_in_dim3A : i32 to vector<16xi32>
    %scan3A = arith.constant 0 : i32
    %scan3A_33 = arith.constant 16 : i32
    %scan3A_34 = arith.addi %scan3A, %scan3A_33 : i32
    %scan3A_35 = arith.constant 1 : i32
    %scan3A_36 = scf.for %scan3A_144 = %scan3A to %scan3A_34 step %scan3A_35 iter_args(%scan3A_145 = %broadcast_in_dim3A_32) -> (vector<16xi32>)  : i32 {
      %broadcast_in_dim3A_146 = vector.broadcast %scan3A_144 : i32 to vector<16xi32>
      %lt3A_147 = arith.constant 0 : i32
      %lt3A_148 = vector.broadcast %lt3A_147 : i32 to vector<16xi32>
      %lt3A_149 = arith.cmpi slt, %broadcast_in_dim3A_146, %lt3A_148 : vector<16xi32>
      %add3A_150 = arith.constant 16 : i32
      %add3A_151 = vector.broadcast %add3A_150 : i32 to vector<16xi32>
      %add3A_152 = arith.addi %broadcast_in_dim3A_146, %add3A_151 : vector<16xi32>
      %select_n3A_153 = arith.select %lt3A_149, %add3A_152, %broadcast_in_dim3A_146 : vector<16xi1>, vector<16xi32>
      %broadcast_in_dim3A_154 = vector.shape_cast %select_n3A_153 : vector<16xi32> to vector<16x1xi32>
      %gather3A_155 = vector.shape_cast %broadcast_in_dim3A_154 : vector<16x1xi32> to vector<16xi32>
      %gather3A_156 = tpu.dynamic_gather %get3A_31[%gather3A_155] in [0] : vector<16xf32>, vector<16xi32> -> vector<16xf32>
      %lt3A_157 = arith.cmpf olt, %gather3A_156, %get3A_31 : vector<16xf32>
      %eq3A_158 = arith.cmpf oeq, %gather3A_156, %get3A_31 : vector<16xf32>
      %gt3A = vector.broadcast %scan3A_144 : i32 to vector<16xi32>
      %gt3A_159 = arith.cmpi sgt, %iota3A, %gt3A : vector<16xi32>
      %and3A_160 = arith.andi %eq3A_158, %gt3A_159 : vector<16xi1>
      %or3A = arith.ori %lt3A_157, %and3A_160 : vector<16xi1>
      %convert_element_type3A_161 = arith.extui %or3A : vector<16xi1> to vector<16xi32>
      %add3A_162 = arith.addi %scan3A_145, %convert_element_type3A_161 : vector<16xi32>
      scf.yield %add3A_162 : vector<16xi32>
    }
    %scan3A_37 = arith.constant 16 : i32
    %eq3A_38 = arith.constant 0 : i32
    %eq3A_39 = arith.cmpi eq, %select_n3A_30, %eq3A_38 : i32
    %convert_element_type3A = arith.extui %eq3A_39 : i1 to i32
    %cond3A = arith.constant 0 : i32
    %cond3A_40 = arith.cmpi ne, %convert_element_type3A, %cond3A : i32
    scf.if %cond3A_40 {
      tpu.vector_store_idx %arg7[%scan3A_36], %get3A_31 : memref<16xf32, #tpu.memory_space<vmem>>[vector<16xi32>], vector<16xf32>,
      tpu.vector_store_idx %arg8[%scan3A_36], %iota3A : memref<16xi32, #tpu.memory_space<vmem>>[vector<16xi32>], vector<16xi32>,
      "tpu.region"() ({
        %run_scoped3A = tpu.sem_alloc : memref<!tpu.dma_semaphore, #tpu.memory_space<semaphore_mem>>
        %dma_start3A = arith.constant 0 : i32
        %dma_start3A_144 = tpu.memref_slice %arg3[%select_n3A, %dma_start3A] : memref<4x16xf32, #tpu.memory_space<hbm>> -> memref<1x16xf32, #tpu.memory_space<hbm>>
        %dma_start3A_145 = tpu.memref_squeeze %dma_start3A_144 : memref<1x16xf32, #tpu.memory_space<hbm>> -> memref<16xf32, #tpu.memory_space<hbm>>
        %dma_start3A_146 = arith.constant 0 : i32
        %dma_start3A_147 = tpu.memref_slice %arg3[%select_n3A, %dma_start3A_146] : memref<4x16xf32, #tpu.memory_space<hbm>> -> memref<1x16xf32, #tpu.memory_space<hbm>>
        %dma_start3A_148 = tpu.memref_squeeze %dma_start3A_147 : memref<1x16xf32, #tpu.memory_space<hbm>> -> memref<16xf32, #tpu.memory_space<hbm>>
        tpu.enqueue_dma source(%arg7 : memref<16xf32, #tpu.memory_space<vmem>>) target(%dma_start3A_148 : memref<16xf32, #tpu.memory_space<hbm>>) target_semaphore(%run_scoped3A : memref<!tpu.dma_semaphore, #tpu.memory_space<semaphore_mem>>)
        %dma_wait3A = arith.constant 0 : i32
        %dma_wait3A_149 = tpu.memref_slice %arg3[%select_n3A, %dma_wait3A] : memref<4x16xf32, #tpu.memory_space<hbm>> -> memref<1x16xf32, #tpu.memory_space<hbm>>
        %dma_wait3A_150 = tpu.memref_squeeze %dma_wait3A_149 : memref<1x16xf32, #tpu.memory_space<hbm>> -> memref<16xf32, #tpu.memory_space<hbm>>
        %dma_wait3A_151 = arith.constant 0 : i32
        %dma_wait3A_152 = tpu.memref_slice %arg3[%select_n3A, %dma_wait3A_151] : memref<4x16xf32, #tpu.memory_space<hbm>> -> memref<1x16xf32, #tpu.memory_space<hbm>>
        %dma_wait3A_153 = tpu.memref_squeeze %dma_wait3A_152 : memref<1x16xf32, #tpu.memory_space<hbm>> -> memref<16xf32, #tpu.memory_space<hbm>>
        tpu.wait_dma2 semaphore(%run_scoped3A : memref<!tpu.dma_semaphore, #tpu.memory_space<semaphore_mem>>) src(%arg7 : memref<16xf32, #tpu.memory_space<vmem>>) dst(%dma_wait3A_153 : memref<16xf32, #tpu.memory_space<hbm>>)
        tpu.yield
      }) : () -> ()
      "tpu.region"() ({
        %run_scoped3A = tpu.sem_alloc : memref<!tpu.dma_semaphore, #tpu.memory_space<semaphore_mem>>
        %dma_start3A = arith.constant 0 : i32
        %dma_start3A_144 = tpu.memref_slice %arg4[%select_n3A, %dma_start3A] : memref<4x16xi32, #tpu.memory_space<hbm>> -> memref<1x16xi32, #tpu.memory_space<hbm>>
        %dma_start3A_145 = tpu.memref_squeeze %dma_start3A_144 : memref<1x16xi32, #tpu.memory_space<hbm>> -> memref<16xi32, #tpu.memory_space<hbm>>
        %dma_start3A_146 = arith.constant 0 : i32
        %dma_start3A_147 = tpu.memref_slice %arg4[%select_n3A, %dma_start3A_146] : memref<4x16xi32, #tpu.memory_space<hbm>> -> memref<1x16xi32, #tpu.memory_space<hbm>>
        %dma_start3A_148 = tpu.memref_squeeze %dma_start3A_147 : memref<1x16xi32, #tpu.memory_space<hbm>> -> memref<16xi32, #tpu.memory_space<hbm>>
        tpu.enqueue_dma source(%arg8 : memref<16xi32, #tpu.memory_space<vmem>>) target(%dma_start3A_148 : memref<16xi32, #tpu.memory_space<hbm>>) target_semaphore(%run_scoped3A : memref<!tpu.dma_semaphore, #tpu.memory_space<semaphore_mem>>)
        %dma_wait3A = arith.constant 0 : i32
        %dma_wait3A_149 = tpu.memref_slice %arg4[%select_n3A, %dma_wait3A] : memref<4x16xi32, #tpu.memory_space<hbm>> -> memref<1x16xi32, #tpu.memory_space<hbm>>
        %dma_wait3A_150 = tpu.memref_squeeze %dma_wait3A_149 : memref<1x16xi32, #tpu.memory_space<hbm>> -> memref<16xi32, #tpu.memory_space<hbm>>
        %dma_wait3A_151 = arith.constant 0 : i32
        %dma_wait3A_152 = tpu.memref_slice %arg4[%select_n3A, %dma_wait3A_151] : memref<4x16xi32, #tpu.memory_space<hbm>> -> memref<1x16xi32, #tpu.memory_space<hbm>>
        %dma_wait3A_153 = tpu.memref_squeeze %dma_wait3A_152 : memref<1x16xi32, #tpu.memory_space<hbm>> -> memref<16xi32, #tpu.memory_space<hbm>>
        tpu.wait_dma2 semaphore(%run_scoped3A : memref<!tpu.dma_semaphore, #tpu.memory_space<semaphore_mem>>) src(%arg8 : memref<16xi32, #tpu.memory_space<vmem>>) dst(%dma_wait3A_153 : memref<16xi32, #tpu.memory_space<hbm>>)
        tpu.yield
      }) : () -> ()
    } else {
    }
    %lt3A_41 = arith.constant 2 : i32
    %lt3A_42 = vector.broadcast %lt3A_41 : i32 to vector<16xi32>
    %lt3A_43 = arith.cmpi slt, %scan3A_36, %lt3A_42 : vector<16xi32>
    %convert_element_type3A_44 = arith.extui %lt3A_43 : vector<16xi1> to vector<16xi32>
    %convert_element_type3A_45 = arith.sitofp %convert_element_type3A_44 : vector<16xi32> to vector<16xf32>
    %broadcast_in_dim3A_46 = vector.broadcast %select_n3A_30 : i32 to vector<16xi32>
    %lt3A_47 = arith.constant 0 : i32
    %lt3A_48 = vector.broadcast %lt3A_47 : i32 to vector<16xi32>
    %lt3A_49 = arith.cmpi slt, %broadcast_in_dim3A_46, %lt3A_48 : vector<16xi32>
    %add3A_50 = arith.constant 16 : i32
    %add3A_51 = vector.broadcast %add3A_50 : i32 to vector<16xi32>
    %add3A_52 = arith.addi %broadcast_in_dim3A_46, %add3A_51 : vector<16xi32>
    %select_n3A_53 = arith.select %lt3A_49, %add3A_52, %broadcast_in_dim3A_46 : vector<16xi1>, vector<16xi32>
    %broadcast_in_dim3A_54 = vector.shape_cast %select_n3A_53 : vector<16xi32> to vector<16x1xi32>
    %gather3A = vector.shape_cast %broadcast_in_dim3A_54 : vector<16x1xi32> to vector<16xi32>
    %gather3A_55 = tpu.dynamic_gather %convert_element_type3A_45[%gather3A] in [0] : vector<16xf32>, vector<16xi32> -> vector<16xf32>
    %scan3A_56 = arith.constant 0 : i32
    %scan3A_57 = arith.constant 0 : i32
    %scan3A_58 = arith.constant 64 : i32
    %scan3A_59 = arith.addi %scan3A_57, %scan3A_58 : i32
    %scan3A_60 = arith.constant 1 : i32
    %scan3A_61 = scf.for %scan3A_144 = %scan3A_57 to %scan3A_59 step %scan3A_60 iter_args(%scan3A_145 = %scan3A_56) -> (i32)  : i32 {
      %mul3A = arith.constant 16 : i32
      %mul3A_146 = arith.muli %scan3A_144, %mul3A : i32
      %swap3A = arith.index_cast %mul3A_146 : i32 to index
      %swap3A_147 = tpu.vector_load %arg9[%swap3A] {strides = array<i32>} : memref<1024xf32, #tpu.memory_space<vmem>>, vector<16xf32>,
      tpu.vector_store %arg9[%swap3A], %gather3A_55 {strides = array<i32>} : memref<1024xf32, #tpu.memory_space<vmem>>, vector<16xf32>,
      %scan3A_148 = arith.constant 0 : i32
      scf.yield %scan3A_148 : i32
    }
    %scan3A_62 = arith.constant 64 : i32
    "tpu.region"() ({
      %run_scoped3A = tpu.sem_alloc : memref<!tpu.dma_semaphore, #tpu.memory_space<semaphore_mem>>
      %dma_start3A = arith.constant 0 : i32
      %dma_start3A_144 = tpu.memref_slice %arg5[%add3A_0, %dma_start3A] : memref<32x1024xf32, #tpu.memory_space<hbm>> -> memref<1x1024xf32, #tpu.memory_space<hbm>>
      %dma_start3A_145 = tpu.memref_squeeze %dma_start3A_144 : memref<1x1024xf32, #tpu.memory_space<hbm>> -> memref<1024xf32, #tpu.memory_space<hbm>>
      %dma_start3A_146 = arith.constant 0 : i32
      %dma_start3A_147 = tpu.memref_slice %arg5[%add3A_0, %dma_start3A_146] : memref<32x1024xf32, #tpu.memory_space<hbm>> -> memref<1x1024xf32, #tpu.memory_space<hbm>>
      %dma_start3A_148 = tpu.memref_squeeze %dma_start3A_147 : memref<1x1024xf32, #tpu.memory_space<hbm>> -> memref<1024xf32, #tpu.memory_space<hbm>>
      tpu.enqueue_dma source(%arg9 : memref<1024xf32, #tpu.memory_space<vmem>>) target(%dma_start3A_148 : memref<1024xf32, #tpu.memory_space<hbm>>) target_semaphore(%run_scoped3A : memref<!tpu.dma_semaphore, #tpu.memory_space<semaphore_mem>>)
      %dma_wait3A = arith.constant 0 : i32
      %dma_wait3A_149 = tpu.memref_slice %arg5[%add3A_0, %dma_wait3A] : memref<32x1024xf32, #tpu.memory_space<hbm>> -> memref<1x1024xf32, #tpu.memory_space<hbm>>
      %dma_wait3A_150 = tpu.memref_squeeze %dma_wait3A_149 : memref<1x1024xf32, #tpu.memory_space<hbm>> -> memref<1024xf32, #tpu.memory_space<hbm>>
      %dma_wait3A_151 = arith.constant 0 : i32
      %dma_wait3A_152 = tpu.memref_slice %arg5[%add3A_0, %dma_wait3A_151] : memref<32x1024xf32, #tpu.memory_space<hbm>> -> memref<1x1024xf32, #tpu.memory_space<hbm>>
      %dma_wait3A_153 = tpu.memref_squeeze %dma_wait3A_152 : memref<1x1024xf32, #tpu.memory_space<hbm>> -> memref<1024xf32, #tpu.memory_space<hbm>>
      tpu.wait_dma2 semaphore(%run_scoped3A : memref<!tpu.dma_semaphore, #tpu.memory_space<semaphore_mem>>) src(%arg9 : memref<1024xf32, #tpu.memory_space<vmem>>) dst(%dma_wait3A_153 : memref<1024xf32, #tpu.memory_space<hbm>>)
      tpu.yield
    }) : () -> ()
    %add3A_63 = arith.constant 16 : i32
    %add3A_64 = arith.addi %arg1, %add3A_63 : i32
    %jit3A_65 = arith.constant 8 : i32
    %div3A_66 = arith.divsi %add3A_64, %jit3A_65 : i32
    %sign3A_67 = arith.constant 0 : i32
    %sign3A_68 = arith.cmpi sgt, %add3A_64, %sign3A_67 : i32
    %sign3A_69 = arith.extui %sign3A_68 : i1 to i32
    %sign3A_70 = arith.constant 0 : i32
    %sign3A_71 = arith.cmpi slt, %add3A_64, %sign3A_70 : i32
    %sign3A_72 = arith.extui %sign3A_71 : i1 to i32
    %sign3A_73 = arith.subi %sign3A_69, %sign3A_72 : i32
    %sign3A_74 = arith.constant 0 : i32
    %sign3A_75 = arith.cmpi sgt, %jit3A_65, %sign3A_74 : i32
    %sign3A_76 = arith.extui %sign3A_75 : i1 to i32
    %sign3A_77 = arith.constant 0 : i32
    %sign3A_78 = arith.cmpi slt, %jit3A_65, %sign3A_77 : i32
    %sign3A_79 = arith.extui %sign3A_78 : i1 to i32
    %sign3A_80 = arith.subi %sign3A_76, %sign3A_79 : i32
    %ne3A_81 = arith.cmpi ne, %sign3A_73, %sign3A_80 : i32
    %rem3A_82 = arith.remsi %add3A_64, %jit3A_65 : i32
    %ne3A_83 = arith.constant 0 : i32
    %ne3A_84 = arith.cmpi ne, %rem3A_82, %ne3A_83 : i32
    %and3A_85 = arith.andi %ne3A_81, %ne3A_84 : i1
    %sub3A_86 = arith.constant 1 : i32
    %sub3A_87 = arith.subi %div3A_66, %sub3A_86 : i32
    %select_n3A_88 = arith.select %and3A_85, %sub3A_87, %div3A_66 : i32
    %jit3A_89 = arith.constant 8 : i32
    %eq3A_90 = arith.constant 0 : i32
    %eq3A_91 = arith.cmpi eq, %jit3A_89, %eq3A_90 : i32
    %jit3A_92 = arith.constant 1 : i32
    %select_n3A_93 = arith.select %eq3A_91, %jit3A_92, %jit3A_89 : i32
    %rem3A_94 = arith.remsi %add3A_64, %select_n3A_93 : i32
    %ne3A_95 = arith.constant 0 : i32
    %ne3A_96 = arith.cmpi ne, %rem3A_94, %ne3A_95 : i32
    %lt3A_97 = arith.constant 0 : i32
    %lt3A_98 = arith.cmpi slt, %rem3A_94, %lt3A_97 : i32
    %lt3A_99 = arith.constant 0 : i32
    %lt3A_100 = arith.cmpi slt, %select_n3A_93, %lt3A_99 : i32
    %ne3A_101 = arith.xori %lt3A_98, %lt3A_100 : i1
    %and3A_102 = arith.andi %ne3A_101, %ne3A_96 : i1
    %add3A_103 = arith.addi %rem3A_94, %select_n3A_93 : i32
    %select_n3A_104 = arith.select %and3A_102, %add3A_103, %rem3A_94 : i32
    "tpu.region"() ({
      %run_scoped3A = tpu.sem_alloc : memref<!tpu.dma_semaphore, #tpu.memory_space<semaphore_mem>>
      %dma_start3A = arith.constant 0 : i32
      %dma_start3A_144 = tpu.memref_slice %arg2[%select_n3A_88, %dma_start3A] : memref<4x16xf32, #tpu.memory_space<hbm>> -> memref<1x16xf32, #tpu.memory_space<hbm>>
      %dma_start3A_145 = tpu.memref_squeeze %dma_start3A_144 : memref<1x16xf32, #tpu.memory_space<hbm>> -> memref<16xf32, #tpu.memory_space<hbm>>
      %dma_start3A_146 = arith.constant 0 : i32
      %dma_start3A_147 = tpu.memref_slice %arg2[%select_n3A_88, %dma_start3A_146] : memref<4x16xf32, #tpu.memory_space<hbm>> -> memref<1x16xf32, #tpu.memory_space<hbm>>
      %dma_start3A_148 = tpu.memref_squeeze %dma_start3A_147 : memref<1x16xf32, #tpu.memory_space<hbm>> -> memref<16xf32, #tpu.memory_space<hbm>>
      tpu.enqueue_dma source(%dma_start3A_148 : memref<16xf32, #tpu.memory_space<hbm>>) target(%arg6 : memref<16xf32, #tpu.memory_space<vmem>>) target_semaphore(%run_scoped3A : memref<!tpu.dma_semaphore, #tpu.memory_space<semaphore_mem>>)
      %dma_wait3A = arith.constant 0 : i32
      %dma_wait3A_149 = tpu.memref_slice %arg2[%select_n3A_88, %dma_wait3A] : memref<4x16xf32, #tpu.memory_space<hbm>> -> memref<1x16xf32, #tpu.memory_space<hbm>>
      %dma_wait3A_150 = tpu.memref_squeeze %dma_wait3A_149 : memref<1x16xf32, #tpu.memory_space<hbm>> -> memref<16xf32, #tpu.memory_space<hbm>>
      %dma_wait3A_151 = arith.constant 0 : i32
      %dma_wait3A_152 = tpu.memref_slice %arg2[%select_n3A_88, %dma_wait3A_151] : memref<4x16xf32, #tpu.memory_space<hbm>> -> memref<1x16xf32, #tpu.memory_space<hbm>>
      %dma_wait3A_153 = tpu.memref_squeeze %dma_wait3A_152 : memref<1x16xf32, #tpu.memory_space<hbm>> -> memref<16xf32, #tpu.memory_space<hbm>>
      tpu.wait_dma2 semaphore(%run_scoped3A : memref<!tpu.dma_semaphore, #tpu.memory_space<semaphore_mem>>) src(%dma_wait3A_153 : memref<16xf32, #tpu.memory_space<hbm>>) dst(%arg6 : memref<16xf32, #tpu.memory_space<vmem>>)
      tpu.yield
    }) : () -> ()
    %get3A_105 = arith.constant 0 : index
    %get3A_106 = tpu.vector_load %arg6[%get3A_105] {strides = array<i32>} : memref<16xf32, #tpu.memory_space<vmem>>, vector<16xf32>,
    %iota3A_107 = tpu.iota {dimensions = array<i32: 0>} : vector<16xi32>
    %broadcast_in_dim3A_108 = arith.constant 0 : i32
    %broadcast_in_dim3A_109 = vector.broadcast %broadcast_in_dim3A_108 : i32 to vector<16xi32>
    %scan3A_110 = arith.constant 0 : i32
    %scan3A_111 = arith.constant 16 : i32
    %scan3A_112 = arith.addi %scan3A_110, %scan3A_111 : i32
    %scan3A_113 = arith.constant 1 : i32
    %scan3A_114 = scf.for %scan3A_144 = %scan3A_110 to %scan3A_112 step %scan3A_113 iter_args(%scan3A_145 = %broadcast_in_dim3A_109) -> (vector<16xi32>)  : i32 {
      %broadcast_in_dim3A_146 = vector.broadcast %scan3A_144 : i32 to vector<16xi32>
      %lt3A_147 = arith.constant 0 : i32
      %lt3A_148 = vector.broadcast %lt3A_147 : i32 to vector<16xi32>
      %lt3A_149 = arith.cmpi slt, %broadcast_in_dim3A_146, %lt3A_148 : vector<16xi32>
      %add3A_150 = arith.constant 16 : i32
      %add3A_151 = vector.broadcast %add3A_150 : i32 to vector<16xi32>
      %add3A_152 = arith.addi %broadcast_in_dim3A_146, %add3A_151 : vector<16xi32>
      %select_n3A_153 = arith.select %lt3A_149, %add3A_152, %broadcast_in_dim3A_146 : vector<16xi1>, vector<16xi32>
      %broadcast_in_dim3A_154 = vector.shape_cast %select_n3A_153 : vector<16xi32> to vector<16x1xi32>
      %gather3A_155 = vector.shape_cast %broadcast_in_dim3A_154 : vector<16x1xi32> to vector<16xi32>
      %gather3A_156 = tpu.dynamic_gather %get3A_106[%gather3A_155] in [0] : vector<16xf32>, vector<16xi32> -> vector<16xf32>
      %lt3A_157 = arith.cmpf olt, %gather3A_156, %get3A_106 : vector<16xf32>
      %eq3A_158 = arith.cmpf oeq, %gather3A_156, %get3A_106 : vector<16xf32>
      %gt3A = vector.broadcast %scan3A_144 : i32 to vector<16xi32>
      %gt3A_159 = arith.cmpi sgt, %iota3A_107, %gt3A : vector<16xi32>
      %and3A_160 = arith.andi %eq3A_158, %gt3A_159 : vector<16xi1>
      %or3A = arith.ori %lt3A_157, %and3A_160 : vector<16xi1>
      %convert_element_type3A_161 = arith.extui %or3A : vector<16xi1> to vector<16xi32>
      %add3A_162 = arith.addi %scan3A_145, %convert_element_type3A_161 : vector<16xi32>
      scf.yield %add3A_162 : vector<16xi32>
    }
    %scan3A_115 = arith.constant 16 : i32
    %eq3A_116 = arith.constant 0 : i32
    %eq3A_117 = arith.cmpi eq, %select_n3A_104, %eq3A_116 : i32
    %convert_element_type3A_118 = arith.extui %eq3A_117 : i1 to i32
    %cond3A_119 = arith.constant 0 : i32
    %cond3A_120 = arith.cmpi ne, %convert_element_type3A_118, %cond3A_119 : i32
    scf.if %cond3A_120 {
      tpu.vector_store_idx %arg7[%scan3A_114], %get3A_106 : memref<16xf32, #tpu.memory_space<vmem>>[vector<16xi32>], vector<16xf32>,
      tpu.vector_store_idx %arg8[%scan3A_114], %iota3A_107 : memref<16xi32, #tpu.memory_space<vmem>>[vector<16xi32>], vector<16xi32>,
      "tpu.region"() ({
        %run_scoped3A = tpu.sem_alloc : memref<!tpu.dma_semaphore, #tpu.memory_space<semaphore_mem>>
        %dma_start3A = arith.constant 0 : i32
        %dma_start3A_144 = tpu.memref_slice %arg3[%select_n3A_88, %dma_start3A] : memref<4x16xf32, #tpu.memory_space<hbm>> -> memref<1x16xf32, #tpu.memory_space<hbm>>
        %dma_start3A_145 = tpu.memref_squeeze %dma_start3A_144 : memref<1x16xf32, #tpu.memory_space<hbm>> -> memref<16xf32, #tpu.memory_space<hbm>>
        %dma_start3A_146 = arith.constant 0 : i32
        %dma_start3A_147 = tpu.memref_slice %arg3[%select_n3A_88, %dma_start3A_146] : memref<4x16xf32, #tpu.memory_space<hbm>> -> memref<1x16xf32, #tpu.memory_space<hbm>>
        %dma_start3A_148 = tpu.memref_squeeze %dma_start3A_147 : memref<1x16xf32, #tpu.memory_space<hbm>> -> memref<16xf32, #tpu.memory_space<hbm>>
        tpu.enqueue_dma source(%arg7 : memref<16xf32, #tpu.memory_space<vmem>>) target(%dma_start3A_148 : memref<16xf32, #tpu.memory_space<hbm>>) target_semaphore(%run_scoped3A : memref<!tpu.dma_semaphore, #tpu.memory_space<semaphore_mem>>)
        %dma_wait3A = arith.constant 0 : i32
        %dma_wait3A_149 = tpu.memref_slice %arg3[%select_n3A_88, %dma_wait3A] : memref<4x16xf32, #tpu.memory_space<hbm>> -> memref<1x16xf32, #tpu.memory_space<hbm>>
        %dma_wait3A_150 = tpu.memref_squeeze %dma_wait3A_149 : memref<1x16xf32, #tpu.memory_space<hbm>> -> memref<16xf32, #tpu.memory_space<hbm>>
        %dma_wait3A_151 = arith.constant 0 : i32
        %dma_wait3A_152 = tpu.memref_slice %arg3[%select_n3A_88, %dma_wait3A_151] : memref<4x16xf32, #tpu.memory_space<hbm>> -> memref<1x16xf32, #tpu.memory_space<hbm>>
        %dma_wait3A_153 = tpu.memref_squeeze %dma_wait3A_152 : memref<1x16xf32, #tpu.memory_space<hbm>> -> memref<16xf32, #tpu.memory_space<hbm>>
        tpu.wait_dma2 semaphore(%run_scoped3A : memref<!tpu.dma_semaphore, #tpu.memory_space<semaphore_mem>>) src(%arg7 : memref<16xf32, #tpu.memory_space<vmem>>) dst(%dma_wait3A_153 : memref<16xf32, #tpu.memory_space<hbm>>)
        tpu.yield
      }) : () -> ()
      "tpu.region"() ({
        %run_scoped3A = tpu.sem_alloc : memref<!tpu.dma_semaphore, #tpu.memory_space<semaphore_mem>>
        %dma_start3A = arith.constant 0 : i32
        %dma_start3A_144 = tpu.memref_slice %arg4[%select_n3A_88, %dma_start3A] : memref<4x16xi32, #tpu.memory_space<hbm>> -> memref<1x16xi32, #tpu.memory_space<hbm>>
        %dma_start3A_145 = tpu.memref_squeeze %dma_start3A_144 : memref<1x16xi32, #tpu.memory_space<hbm>> -> memref<16xi32, #tpu.memory_space<hbm>>
        %dma_start3A_146 = arith.constant 0 : i32
        %dma_start3A_147 = tpu.memref_slice %arg4[%select_n3A_88, %dma_start3A_146] : memref<4x16xi32, #tpu.memory_space<hbm>> -> memref<1x16xi32, #tpu.memory_space<hbm>>
        %dma_start3A_148 = tpu.memref_squeeze %dma_start3A_147 : memref<1x16xi32, #tpu.memory_space<hbm>> -> memref<16xi32, #tpu.memory_space<hbm>>
        tpu.enqueue_dma source(%arg8 : memref<16xi32, #tpu.memory_space<vmem>>) target(%dma_start3A_148 : memref<16xi32, #tpu.memory_space<hbm>>) target_semaphore(%run_scoped3A : memref<!tpu.dma_semaphore, #tpu.memory_space<semaphore_mem>>)
        %dma_wait3A = arith.constant 0 : i32
        %dma_wait3A_149 = tpu.memref_slice %arg4[%select_n3A_88, %dma_wait3A] : memref<4x16xi32, #tpu.memory_space<hbm>> -> memref<1x16xi32, #tpu.memory_space<hbm>>
        %dma_wait3A_150 = tpu.memref_squeeze %dma_wait3A_149 : memref<1x16xi32, #tpu.memory_space<hbm>> -> memref<16xi32, #tpu.memory_space<hbm>>
        %dma_wait3A_151 = arith.constant 0 : i32
        %dma_wait3A_152 = tpu.memref_slice %arg4[%select_n3A_88, %dma_wait3A_151] : memref<4x16xi32, #tpu.memory_space<hbm>> -> memref<1x16xi32, #tpu.memory_space<hbm>>
        %dma_wait3A_153 = tpu.memref_squeeze %dma_wait3A_152 : memref<1x16xi32, #tpu.memory_space<hbm>> -> memref<16xi32, #tpu.memory_space<hbm>>
        tpu.wait_dma2 semaphore(%run_scoped3A : memref<!tpu.dma_semaphore, #tpu.memory_space<semaphore_mem>>) src(%arg8 : memref<16xi32, #tpu.memory_space<vmem>>) dst(%dma_wait3A_153 : memref<16xi32, #tpu.memory_space<hbm>>)
        tpu.yield
      }) : () -> ()
    } else {
    }
    %lt3A_121 = arith.constant 2 : i32
    %lt3A_122 = vector.broadcast %lt3A_121 : i32 to vector<16xi32>
    %lt3A_123 = arith.cmpi slt, %scan3A_114, %lt3A_122 : vector<16xi32>
    %convert_element_type3A_124 = arith.extui %lt3A_123 : vector<16xi1> to vector<16xi32>
    %convert_element_type3A_125 = arith.sitofp %convert_element_type3A_124 : vector<16xi32> to vector<16xf32>
    %broadcast_in_dim3A_126 = vector.broadcast %select_n3A_104 : i32 to vector<16xi32>
    %lt3A_127 = arith.constant 0 : i32
    %lt3A_128 = vector.broadcast %lt3A_127 : i32 to vector<16xi32>
    %lt3A_129 = arith.cmpi slt, %broadcast_in_dim3A_126, %lt3A_128 : vector<16xi32>
    %add3A_130 = arith.constant 16 : i32
    %add3A_131 = vector.broadcast %add3A_130 : i32 to vector<16xi32>
    %add3A_132 = arith.addi %broadcast_in_dim3A_126, %add3A_131 : vector<16xi32>
    %select_n3A_133 = arith.select %lt3A_129, %add3A_132, %broadcast_in_dim3A_126 : vector<16xi1>, vector<16xi32>
    %broadcast_in_dim3A_134 = vector.shape_cast %select_n3A_133 : vector<16xi32> to vector<16x1xi32>
    %gather3A_135 = vector.shape_cast %broadcast_in_dim3A_134 : vector<16x1xi32> to vector<16xi32>
    %gather3A_136 = tpu.dynamic_gather %convert_element_type3A_125[%gather3A_135] in [0] : vector<16xf32>, vector<16xi32> -> vector<16xf32>
    %scan3A_137 = arith.constant 0 : i32
    %scan3A_138 = arith.constant 0 : i32
    %scan3A_139 = arith.constant 64 : i32
    %scan3A_140 = arith.addi %scan3A_138, %scan3A_139 : i32
    %scan3A_141 = arith.constant 1 : i32
    %scan3A_142 = scf.for %scan3A_144 = %scan3A_138 to %scan3A_140 step %scan3A_141 iter_args(%scan3A_145 = %scan3A_137) -> (i32)  : i32 {
      %mul3A = arith.constant 16 : i32
      %mul3A_146 = arith.muli %scan3A_144, %mul3A : i32
      %swap3A = arith.index_cast %mul3A_146 : i32 to index
      %swap3A_147 = tpu.vector_load %arg9[%swap3A] {strides = array<i32>} : memref<1024xf32, #tpu.memory_space<vmem>>, vector<16xf32>,
      tpu.vector_store %arg9[%swap3A], %gather3A_136 {strides = array<i32>} : memref<1024xf32, #tpu.memory_space<vmem>>, vector<16xf32>,
      %scan3A_148 = arith.constant 0 : i32
      scf.yield %scan3A_148 : i32
    }
    %scan3A_143 = arith.constant 64 : i32
    "tpu.region"() ({
      %run_scoped3A = tpu.sem_alloc : memref<!tpu.dma_semaphore, #tpu.memory_space<semaphore_mem>>
      %dma_start3A = arith.constant 0 : i32
      %dma_start3A_144 = tpu.memref_slice %arg5[%add3A_64, %dma_start3A] : memref<32x1024xf32, #tpu.memory_space<hbm>> -> memref<1x1024xf32, #tpu.memory_space<hbm>>
      %dma_start3A_145 = tpu.memref_squeeze %dma_start3A_144 : memref<1x1024xf32, #tpu.memory_space<hbm>> -> memref<1024xf32, #tpu.memory_space<hbm>>
      %dma_start3A_146 = arith.constant 0 : i32
      %dma_start3A_147 = tpu.memref_slice %arg5[%add3A_64, %dma_start3A_146] : memref<32x1024xf32, #tpu.memory_space<hbm>> -> memref<1x1024xf32, #tpu.memory_space<hbm>>
      %dma_start3A_148 = tpu.memref_squeeze %dma_start3A_147 : memref<1x1024xf32, #tpu.memory_space<hbm>> -> memref<1024xf32, #tpu.memory_space<hbm>>
      tpu.enqueue_dma source(%arg9 : memref<1024xf32, #tpu.memory_space<vmem>>) target(%dma_start3A_148 : memref<1024xf32, #tpu.memory_space<hbm>>) target_semaphore(%run_scoped3A : memref<!tpu.dma_semaphore, #tpu.memory_space<semaphore_mem>>)
      %dma_wait3A = arith.constant 0 : i32
      %dma_wait3A_149 = tpu.memref_slice %arg5[%add3A_64, %dma_wait3A] : memref<32x1024xf32, #tpu.memory_space<hbm>> -> memref<1x1024xf32, #tpu.memory_space<hbm>>
      %dma_wait3A_150 = tpu.memref_squeeze %dma_wait3A_149 : memref<1x1024xf32, #tpu.memory_space<hbm>> -> memref<1024xf32, #tpu.memory_space<hbm>>
      %dma_wait3A_151 = arith.constant 0 : i32
      %dma_wait3A_152 = tpu.memref_slice %arg5[%add3A_64, %dma_wait3A_151] : memref<32x1024xf32, #tpu.memory_space<hbm>> -> memref<1x1024xf32, #tpu.memory_space<hbm>>
      %dma_wait3A_153 = tpu.memref_squeeze %dma_wait3A_152 : memref<1x1024xf32, #tpu.memory_space<hbm>> -> memref<1024xf32, #tpu.memory_space<hbm>>
      tpu.wait_dma2 semaphore(%run_scoped3A : memref<!tpu.dma_semaphore, #tpu.memory_space<semaphore_mem>>) src(%arg9 : memref<1024xf32, #tpu.memory_space<vmem>>) dst(%dma_wait3A_153 : memref<1024xf32, #tpu.memory_space<hbm>>)
      tpu.yield
    }) : () -> ()
    return
  }
}

module attributes {stable_mosaic.version = 14 : i64} {
  func.func @_mega_kernel(%arg0: i32, %arg1: i32, %arg2: memref<8x1x1024xf32, #tpu.memory_space<vmem>>, %arg3: memref<8x1024x256xf32, #tpu.memory_space<vmem>>, %arg4: memref<8x1024x256xf32, #tpu.memory_space<vmem>>, %arg5: memref<8x1024x256xf32, #tpu.memory_space<vmem>>, %arg6: memref<1x2048x1024xf32, #tpu.memory_space<vmem>>, %arg7: memref<1x8x2048xf32, #tpu.memory_space<vmem>>, %arg8: memref<4x8x256xf32, #tpu.memory_space<vmem>>, %arg9: memref<8x1024xf32, #tpu.memory_space<vmem>>, %arg10: memref<4x8x1024xf32, #tpu.memory_space<vmem>>) attributes {dimension_semantics = [#tpu.dimension_semantics<arbitrary>, #tpu.dimension_semantics<arbitrary>], iteration_bounds = array<i64: 4, 1>, scalar_prefetch = 0 : i64, scratch_operands = 2 : i64, tpu.core_type = #tpu.core_type<tc>, window_params = [{pipeline_mode = #tpu.pipeline_mode<synchronous>, transform_indices = @transform_0, window_bounds = array<i64: 8, 1, 1024>}, {pipeline_mode = #tpu.pipeline_mode<synchronous>, transform_indices = @transform_1, window_bounds = array<i64: 8, 1024, 256>}, {pipeline_mode = #tpu.pipeline_mode<synchronous>, transform_indices = @transform_2, window_bounds = array<i64: 8, 1024, 256>}, {pipeline_mode = #tpu.pipeline_mode<synchronous>, transform_indices = @transform_3, window_bounds = array<i64: 8, 1024, 256>}, {transform_indices = @transform_4, window_bounds = array<i64: 1, 2048, 1024>}, {transform_indices = @transform_5, window_bounds = array<i64: 1, 8, 2048>}, {pipeline_mode = #tpu.pipeline_mode<synchronous>, transform_indices = @transform_6, window_bounds = array<i64: 4, 8, 256>}]} {
    %eq3A = arith.constant 0 : i32
    %eq3A_0 = arith.cmpi eq, %arg0, %eq3A : i32
    %eq3A_1 = arith.constant 0 : i32
    %eq3A_2 = arith.cmpi eq, %arg1, %eq3A_1 : i32
    %and3A = arith.andi %eq3A_0, %eq3A_2 : i1
    %convert_element_type3A = arith.extui %and3A : i1 to i32
    %cond3A = arith.constant 0 : i32
    %cond3A_3 = arith.cmpi ne, %convert_element_type3A, %cond3A : i32
    scf.if %cond3A_3 {
      %get3A_36 = arith.constant 0 : index
      %get3A_37 = arith.constant 0 : index
      %get3A_38 = arith.constant 0 : index
      %get3A_39 = vector.load %arg2[%get3A_36, %get3A_37, %get3A_38] : memref<8x1x1024xf32, #tpu.memory_space<vmem>>, vector<1x1x1024xf32>
      %get3A_40 = vector.shape_cast %get3A_39 : vector<1x1x1024xf32> to vector<1x1024xf32>
      %get3A_41 = arith.constant 0 : index
      %get3A_42 = arith.constant 0 : index
      %get3A_43 = arith.constant 0 : index
      %get3A_44 = vector.load %arg3[%get3A_41, %get3A_42, %get3A_43] : memref<8x1024x256xf32, #tpu.memory_space<vmem>>, vector<1x1024x256xf32>
      %get3A_45 = vector.shape_cast %get3A_44 : vector<1x1024x256xf32> to vector<1024x256xf32>
      %dot_general3A_46 = arith.constant dense<0.000000e+00> : vector<1x256xf32>
      %dot_general3A_47 = tpu.matmul %get3A_40, %get3A_45, %dot_general3A_46 {dimension_numbers = #tpu.dot_dimension_numbers<[1], [0], [0], [1], [0, 0, 1, 1], [], []>, transpose_lhs_hint = false} : vector<1x1024xf32>, vector<1024x256xf32>, vector<1x256xf32> -> vector<1x256xf32>
      %get3A_48 = arith.constant 0 : index
      %get3A_49 = arith.constant 0 : index
      %get3A_50 = arith.constant 0 : index
      %get3A_51 = vector.load %arg4[%get3A_48, %get3A_49, %get3A_50] : memref<8x1024x256xf32, #tpu.memory_space<vmem>>, vector<1x1024x256xf32>
      %get3A_52 = vector.shape_cast %get3A_51 : vector<1x1024x256xf32> to vector<1024x256xf32>
      %dot_general3A_53 = arith.constant dense<0.000000e+00> : vector<1x1024xf32>
      %dot_general3A_54 = tpu.matmul %dot_general3A_47, %get3A_52, %dot_general3A_53 {dimension_numbers = #tpu.dot_dimension_numbers<[1], [1], [0], [0], [0, 0, 1, 0], [], []>, transpose_lhs_hint = false} : vector<1x256xf32>, vector<1024x256xf32>, vector<1x1024xf32> -> vector<1x1024xf32>
      %swap3A_55 = arith.constant 0 : index
      %swap3A_56 = arith.constant 0 : index
      %swap3A_57 = vector.load %arg9[%swap3A_55, %swap3A_56] : memref<8x1024xf32, #tpu.memory_space<vmem>>, vector<1x1024xf32>
      tpu.vector_store %arg9[%swap3A_55, %swap3A_56], %dot_general3A_54 {strides = array<i32>} : memref<8x1024xf32, #tpu.memory_space<vmem>>, vector<1x1024xf32>,
      %get3A_58 = arith.constant 1 : index
      %get3A_59 = arith.constant 0 : index
      %get3A_60 = arith.constant 0 : index
      %get3A_61 = vector.load %arg2[%get3A_58, %get3A_59, %get3A_60] : memref<8x1x1024xf32, #tpu.memory_space<vmem>>, vector<1x1x1024xf32>
      %get3A_62 = vector.shape_cast %get3A_61 : vector<1x1x1024xf32> to vector<1x1024xf32>
      %get3A_63 = arith.constant 1 : index
      %get3A_64 = arith.constant 0 : index
      %get3A_65 = arith.constant 0 : index
      %get3A_66 = vector.load %arg3[%get3A_63, %get3A_64, %get3A_65] : memref<8x1024x256xf32, #tpu.memory_space<vmem>>, vector<1x1024x256xf32>
      %get3A_67 = vector.shape_cast %get3A_66 : vector<1x1024x256xf32> to vector<1024x256xf32>
      %dot_general3A_68 = arith.constant dense<0.000000e+00> : vector<1x256xf32>
      %dot_general3A_69 = tpu.matmul %get3A_62, %get3A_67, %dot_general3A_68 {dimension_numbers = #tpu.dot_dimension_numbers<[1], [0], [0], [1], [0, 0, 1, 1], [], []>, transpose_lhs_hint = false} : vector<1x1024xf32>, vector<1024x256xf32>, vector<1x256xf32> -> vector<1x256xf32>
      %get3A_70 = arith.constant 1 : index
      %get3A_71 = arith.constant 0 : index
      %get3A_72 = arith.constant 0 : index
      %get3A_73 = vector.load %arg4[%get3A_70, %get3A_71, %get3A_72] : memref<8x1024x256xf32, #tpu.memory_space<vmem>>, vector<1x1024x256xf32>
      %get3A_74 = vector.shape_cast %get3A_73 : vector<1x1024x256xf32> to vector<1024x256xf32>
      %dot_general3A_75 = arith.constant dense<0.000000e+00> : vector<1x1024xf32>
      %dot_general3A_76 = tpu.matmul %dot_general3A_69, %get3A_74, %dot_general3A_75 {dimension_numbers = #tpu.dot_dimension_numbers<[1], [1], [0], [0], [0, 0, 1, 0], [], []>, transpose_lhs_hint = false} : vector<1x256xf32>, vector<1024x256xf32>, vector<1x1024xf32> -> vector<1x1024xf32>
      %swap3A_77 = arith.constant 1 : index
      %swap3A_78 = arith.constant 0 : index
      %swap3A_79 = vector.load %arg9[%swap3A_77, %swap3A_78] : memref<8x1024xf32, #tpu.memory_space<vmem>>, vector<1x1024xf32>
      tpu.vector_store %arg9[%swap3A_77, %swap3A_78], %dot_general3A_76 {strides = array<i32>} : memref<8x1024xf32, #tpu.memory_space<vmem>>, vector<1x1024xf32>,
      %get3A_80 = arith.constant 2 : index
      %get3A_81 = arith.constant 0 : index
      %get3A_82 = arith.constant 0 : index
      %get3A_83 = vector.load %arg2[%get3A_80, %get3A_81, %get3A_82] : memref<8x1x1024xf32, #tpu.memory_space<vmem>>, vector<1x1x1024xf32>
      %get3A_84 = vector.shape_cast %get3A_83 : vector<1x1x1024xf32> to vector<1x1024xf32>
      %get3A_85 = arith.constant 2 : index
      %get3A_86 = arith.constant 0 : index
      %get3A_87 = arith.constant 0 : index
      %get3A_88 = vector.load %arg3[%get3A_85, %get3A_86, %get3A_87] : memref<8x1024x256xf32, #tpu.memory_space<vmem>>, vector<1x1024x256xf32>
      %get3A_89 = vector.shape_cast %get3A_88 : vector<1x1024x256xf32> to vector<1024x256xf32>
      %dot_general3A_90 = arith.constant dense<0.000000e+00> : vector<1x256xf32>
      %dot_general3A_91 = tpu.matmul %get3A_84, %get3A_89, %dot_general3A_90 {dimension_numbers = #tpu.dot_dimension_numbers<[1], [0], [0], [1], [0, 0, 1, 1], [], []>, transpose_lhs_hint = false} : vector<1x1024xf32>, vector<1024x256xf32>, vector<1x256xf32> -> vector<1x256xf32>
      %get3A_92 = arith.constant 2 : index
      %get3A_93 = arith.constant 0 : index
      %get3A_94 = arith.constant 0 : index
      %get3A_95 = vector.load %arg4[%get3A_92, %get3A_93, %get3A_94] : memref<8x1024x256xf32, #tpu.memory_space<vmem>>, vector<1x1024x256xf32>
      %get3A_96 = vector.shape_cast %get3A_95 : vector<1x1024x256xf32> to vector<1024x256xf32>
      %dot_general3A_97 = arith.constant dense<0.000000e+00> : vector<1x1024xf32>
      %dot_general3A_98 = tpu.matmul %dot_general3A_91, %get3A_96, %dot_general3A_97 {dimension_numbers = #tpu.dot_dimension_numbers<[1], [1], [0], [0], [0, 0, 1, 0], [], []>, transpose_lhs_hint = false} : vector<1x256xf32>, vector<1024x256xf32>, vector<1x1024xf32> -> vector<1x1024xf32>
      %swap3A_99 = arith.constant 2 : index
      %swap3A_100 = arith.constant 0 : index
      %swap3A_101 = vector.load %arg9[%swap3A_99, %swap3A_100] : memref<8x1024xf32, #tpu.memory_space<vmem>>, vector<1x1024xf32>
      tpu.vector_store %arg9[%swap3A_99, %swap3A_100], %dot_general3A_98 {strides = array<i32>} : memref<8x1024xf32, #tpu.memory_space<vmem>>, vector<1x1024xf32>,
      %get3A_102 = arith.constant 3 : index
      %get3A_103 = arith.constant 0 : index
      %get3A_104 = arith.constant 0 : index
      %get3A_105 = vector.load %arg2[%get3A_102, %get3A_103, %get3A_104] : memref<8x1x1024xf32, #tpu.memory_space<vmem>>, vector<1x1x1024xf32>
      %get3A_106 = vector.shape_cast %get3A_105 : vector<1x1x1024xf32> to vector<1x1024xf32>
      %get3A_107 = arith.constant 3 : index
      %get3A_108 = arith.constant 0 : index
      %get3A_109 = arith.constant 0 : index
      %get3A_110 = vector.load %arg3[%get3A_107, %get3A_108, %get3A_109] : memref<8x1024x256xf32, #tpu.memory_space<vmem>>, vector<1x1024x256xf32>
      %get3A_111 = vector.shape_cast %get3A_110 : vector<1x1024x256xf32> to vector<1024x256xf32>
      %dot_general3A_112 = arith.constant dense<0.000000e+00> : vector<1x256xf32>
      %dot_general3A_113 = tpu.matmul %get3A_106, %get3A_111, %dot_general3A_112 {dimension_numbers = #tpu.dot_dimension_numbers<[1], [0], [0], [1], [0, 0, 1, 1], [], []>, transpose_lhs_hint = false} : vector<1x1024xf32>, vector<1024x256xf32>, vector<1x256xf32> -> vector<1x256xf32>
      %get3A_114 = arith.constant 3 : index
      %get3A_115 = arith.constant 0 : index
      %get3A_116 = arith.constant 0 : index
      %get3A_117 = vector.load %arg4[%get3A_114, %get3A_115, %get3A_116] : memref<8x1024x256xf32, #tpu.memory_space<vmem>>, vector<1x1024x256xf32>
      %get3A_118 = vector.shape_cast %get3A_117 : vector<1x1024x256xf32> to vector<1024x256xf32>
      %dot_general3A_119 = arith.constant dense<0.000000e+00> : vector<1x1024xf32>
      %dot_general3A_120 = tpu.matmul %dot_general3A_113, %get3A_118, %dot_general3A_119 {dimension_numbers = #tpu.dot_dimension_numbers<[1], [1], [0], [0], [0, 0, 1, 0], [], []>, transpose_lhs_hint = false} : vector<1x256xf32>, vector<1024x256xf32>, vector<1x1024xf32> -> vector<1x1024xf32>
      %swap3A_121 = arith.constant 3 : index
      %swap3A_122 = arith.constant 0 : index
      %swap3A_123 = vector.load %arg9[%swap3A_121, %swap3A_122] : memref<8x1024xf32, #tpu.memory_space<vmem>>, vector<1x1024xf32>
      tpu.vector_store %arg9[%swap3A_121, %swap3A_122], %dot_general3A_120 {strides = array<i32>} : memref<8x1024xf32, #tpu.memory_space<vmem>>, vector<1x1024xf32>,
      %get3A_124 = arith.constant 4 : index
      %get3A_125 = arith.constant 0 : index
      %get3A_126 = arith.constant 0 : index
      %get3A_127 = vector.load %arg2[%get3A_124, %get3A_125, %get3A_126] : memref<8x1x1024xf32, #tpu.memory_space<vmem>>, vector<1x1x1024xf32>
      %get3A_128 = vector.shape_cast %get3A_127 : vector<1x1x1024xf32> to vector<1x1024xf32>
      %get3A_129 = arith.constant 4 : index
      %get3A_130 = arith.constant 0 : index
      %get3A_131 = arith.constant 0 : index
      %get3A_132 = vector.load %arg3[%get3A_129, %get3A_130, %get3A_131] : memref<8x1024x256xf32, #tpu.memory_space<vmem>>, vector<1x1024x256xf32>
      %get3A_133 = vector.shape_cast %get3A_132 : vector<1x1024x256xf32> to vector<1024x256xf32>
      %dot_general3A_134 = arith.constant dense<0.000000e+00> : vector<1x256xf32>
      %dot_general3A_135 = tpu.matmul %get3A_128, %get3A_133, %dot_general3A_134 {dimension_numbers = #tpu.dot_dimension_numbers<[1], [0], [0], [1], [0, 0, 1, 1], [], []>, transpose_lhs_hint = false} : vector<1x1024xf32>, vector<1024x256xf32>, vector<1x256xf32> -> vector<1x256xf32>
      %get3A_136 = arith.constant 4 : index
      %get3A_137 = arith.constant 0 : index
      %get3A_138 = arith.constant 0 : index
      %get3A_139 = vector.load %arg4[%get3A_136, %get3A_137, %get3A_138] : memref<8x1024x256xf32, #tpu.memory_space<vmem>>, vector<1x1024x256xf32>
      %get3A_140 = vector.shape_cast %get3A_139 : vector<1x1024x256xf32> to vector<1024x256xf32>
      %dot_general3A_141 = arith.constant dense<0.000000e+00> : vector<1x1024xf32>
      %dot_general3A_142 = tpu.matmul %dot_general3A_135, %get3A_140, %dot_general3A_141 {dimension_numbers = #tpu.dot_dimension_numbers<[1], [1], [0], [0], [0, 0, 1, 0], [], []>, transpose_lhs_hint = false} : vector<1x256xf32>, vector<1024x256xf32>, vector<1x1024xf32> -> vector<1x1024xf32>
      %swap3A_143 = arith.constant 4 : index
      %swap3A_144 = arith.constant 0 : index
      %swap3A_145 = vector.load %arg9[%swap3A_143, %swap3A_144] : memref<8x1024xf32, #tpu.memory_space<vmem>>, vector<1x1024xf32>
      tpu.vector_store %arg9[%swap3A_143, %swap3A_144], %dot_general3A_142 {strides = array<i32>} : memref<8x1024xf32, #tpu.memory_space<vmem>>, vector<1x1024xf32>,
      %get3A_146 = arith.constant 5 : index
      %get3A_147 = arith.constant 0 : index
      %get3A_148 = arith.constant 0 : index
      %get3A_149 = vector.load %arg2[%get3A_146, %get3A_147, %get3A_148] : memref<8x1x1024xf32, #tpu.memory_space<vmem>>, vector<1x1x1024xf32>
      %get3A_150 = vector.shape_cast %get3A_149 : vector<1x1x1024xf32> to vector<1x1024xf32>
      %get3A_151 = arith.constant 5 : index
      %get3A_152 = arith.constant 0 : index
      %get3A_153 = arith.constant 0 : index
      %get3A_154 = vector.load %arg3[%get3A_151, %get3A_152, %get3A_153] : memref<8x1024x256xf32, #tpu.memory_space<vmem>>, vector<1x1024x256xf32>
      %get3A_155 = vector.shape_cast %get3A_154 : vector<1x1024x256xf32> to vector<1024x256xf32>
      %dot_general3A_156 = arith.constant dense<0.000000e+00> : vector<1x256xf32>
      %dot_general3A_157 = tpu.matmul %get3A_150, %get3A_155, %dot_general3A_156 {dimension_numbers = #tpu.dot_dimension_numbers<[1], [0], [0], [1], [0, 0, 1, 1], [], []>, transpose_lhs_hint = false} : vector<1x1024xf32>, vector<1024x256xf32>, vector<1x256xf32> -> vector<1x256xf32>
      %get3A_158 = arith.constant 5 : index
      %get3A_159 = arith.constant 0 : index
      %get3A_160 = arith.constant 0 : index
      %get3A_161 = vector.load %arg4[%get3A_158, %get3A_159, %get3A_160] : memref<8x1024x256xf32, #tpu.memory_space<vmem>>, vector<1x1024x256xf32>
      %get3A_162 = vector.shape_cast %get3A_161 : vector<1x1024x256xf32> to vector<1024x256xf32>
      %dot_general3A_163 = arith.constant dense<0.000000e+00> : vector<1x1024xf32>
      %dot_general3A_164 = tpu.matmul %dot_general3A_157, %get3A_162, %dot_general3A_163 {dimension_numbers = #tpu.dot_dimension_numbers<[1], [1], [0], [0], [0, 0, 1, 0], [], []>, transpose_lhs_hint = false} : vector<1x256xf32>, vector<1024x256xf32>, vector<1x1024xf32> -> vector<1x1024xf32>
      %swap3A_165 = arith.constant 5 : index
      %swap3A_166 = arith.constant 0 : index
      %swap3A_167 = vector.load %arg9[%swap3A_165, %swap3A_166] : memref<8x1024xf32, #tpu.memory_space<vmem>>, vector<1x1024xf32>
      tpu.vector_store %arg9[%swap3A_165, %swap3A_166], %dot_general3A_164 {strides = array<i32>} : memref<8x1024xf32, #tpu.memory_space<vmem>>, vector<1x1024xf32>,
      %get3A_168 = arith.constant 6 : index
      %get3A_169 = arith.constant 0 : index
      %get3A_170 = arith.constant 0 : index
      %get3A_171 = vector.load %arg2[%get3A_168, %get3A_169, %get3A_170] : memref<8x1x1024xf32, #tpu.memory_space<vmem>>, vector<1x1x1024xf32>
      %get3A_172 = vector.shape_cast %get3A_171 : vector<1x1x1024xf32> to vector<1x1024xf32>
      %get3A_173 = arith.constant 6 : index
      %get3A_174 = arith.constant 0 : index
      %get3A_175 = arith.constant 0 : index
      %get3A_176 = vector.load %arg3[%get3A_173, %get3A_174, %get3A_175] : memref<8x1024x256xf32, #tpu.memory_space<vmem>>, vector<1x1024x256xf32>
      %get3A_177 = vector.shape_cast %get3A_176 : vector<1x1024x256xf32> to vector<1024x256xf32>
      %dot_general3A_178 = arith.constant dense<0.000000e+00> : vector<1x256xf32>
      %dot_general3A_179 = tpu.matmul %get3A_172, %get3A_177, %dot_general3A_178 {dimension_numbers = #tpu.dot_dimension_numbers<[1], [0], [0], [1], [0, 0, 1, 1], [], []>, transpose_lhs_hint = false} : vector<1x1024xf32>, vector<1024x256xf32>, vector<1x256xf32> -> vector<1x256xf32>
      %get3A_180 = arith.constant 6 : index
      %get3A_181 = arith.constant 0 : index
      %get3A_182 = arith.constant 0 : index
      %get3A_183 = vector.load %arg4[%get3A_180, %get3A_181, %get3A_182] : memref<8x1024x256xf32, #tpu.memory_space<vmem>>, vector<1x1024x256xf32>
      %get3A_184 = vector.shape_cast %get3A_183 : vector<1x1024x256xf32> to vector<1024x256xf32>
      %dot_general3A_185 = arith.constant dense<0.000000e+00> : vector<1x1024xf32>
      %dot_general3A_186 = tpu.matmul %dot_general3A_179, %get3A_184, %dot_general3A_185 {dimension_numbers = #tpu.dot_dimension_numbers<[1], [1], [0], [0], [0, 0, 1, 0], [], []>, transpose_lhs_hint = false} : vector<1x256xf32>, vector<1024x256xf32>, vector<1x1024xf32> -> vector<1x1024xf32>
      %swap3A_187 = arith.constant 6 : index
      %swap3A_188 = arith.constant 0 : index
      %swap3A_189 = vector.load %arg9[%swap3A_187, %swap3A_188] : memref<8x1024xf32, #tpu.memory_space<vmem>>, vector<1x1024xf32>
      tpu.vector_store %arg9[%swap3A_187, %swap3A_188], %dot_general3A_186 {strides = array<i32>} : memref<8x1024xf32, #tpu.memory_space<vmem>>, vector<1x1024xf32>,
      %get3A_190 = arith.constant 7 : index
      %get3A_191 = arith.constant 0 : index
      %get3A_192 = arith.constant 0 : index
      %get3A_193 = vector.load %arg2[%get3A_190, %get3A_191, %get3A_192] : memref<8x1x1024xf32, #tpu.memory_space<vmem>>, vector<1x1x1024xf32>
      %get3A_194 = vector.shape_cast %get3A_193 : vector<1x1x1024xf32> to vector<1x1024xf32>
      %get3A_195 = arith.constant 7 : index
      %get3A_196 = arith.constant 0 : index
      %get3A_197 = arith.constant 0 : index
      %get3A_198 = vector.load %arg3[%get3A_195, %get3A_196, %get3A_197] : memref<8x1024x256xf32, #tpu.memory_space<vmem>>, vector<1x1024x256xf32>
      %get3A_199 = vector.shape_cast %get3A_198 : vector<1x1024x256xf32> to vector<1024x256xf32>
      %dot_general3A_200 = arith.constant dense<0.000000e+00> : vector<1x256xf32>
      %dot_general3A_201 = tpu.matmul %get3A_194, %get3A_199, %dot_general3A_200 {dimension_numbers = #tpu.dot_dimension_numbers<[1], [0], [0], [1], [0, 0, 1, 1], [], []>, transpose_lhs_hint = false} : vector<1x1024xf32>, vector<1024x256xf32>, vector<1x256xf32> -> vector<1x256xf32>
      %get3A_202 = arith.constant 7 : index
      %get3A_203 = arith.constant 0 : index
      %get3A_204 = arith.constant 0 : index
      %get3A_205 = vector.load %arg4[%get3A_202, %get3A_203, %get3A_204] : memref<8x1024x256xf32, #tpu.memory_space<vmem>>, vector<1x1024x256xf32>
      %get3A_206 = vector.shape_cast %get3A_205 : vector<1x1024x256xf32> to vector<1024x256xf32>
      %dot_general3A_207 = arith.constant dense<0.000000e+00> : vector<1x1024xf32>
      %dot_general3A_208 = tpu.matmul %dot_general3A_201, %get3A_206, %dot_general3A_207 {dimension_numbers = #tpu.dot_dimension_numbers<[1], [1], [0], [0], [0, 0, 1, 0], [], []>, transpose_lhs_hint = false} : vector<1x256xf32>, vector<1024x256xf32>, vector<1x1024xf32> -> vector<1x1024xf32>
      %swap3A_209 = arith.constant 7 : index
      %swap3A_210 = arith.constant 0 : index
      %swap3A_211 = vector.load %arg9[%swap3A_209, %swap3A_210] : memref<8x1024xf32, #tpu.memory_space<vmem>>, vector<1x1024xf32>
      tpu.vector_store %arg9[%swap3A_209, %swap3A_210], %dot_general3A_208 {strides = array<i32>} : memref<8x1024xf32, #tpu.memory_space<vmem>>, vector<1x1024xf32>,
    } else {
    }
    %get3A = arith.constant 0 : index
    %get3A_4 = arith.constant 0 : index
    %get3A_5 = vector.load %arg9[%get3A, %get3A_4] : memref<8x1024xf32, #tpu.memory_space<vmem>>, vector<8x1024xf32>
    %get3A_6 = arith.constant 0 : index
    %get3A_7 = arith.constant 0 : index
    %get3A_8 = arith.constant 0 : index
    %get3A_9 = vector.load %arg6[%get3A_6, %get3A_7, %get3A_8] : memref<1x2048x1024xf32, #tpu.memory_space<vmem>>, vector<1x2048x1024xf32>
    %get3A_10 = vector.shape_cast %get3A_9 : vector<1x2048x1024xf32> to vector<2048x1024xf32>
    %dot_general3A = arith.constant dense<0.000000e+00> : vector<8x2048xf32>
    %dot_general3A_11 = tpu.matmul %get3A_5, %get3A_10, %dot_general3A {dimension_numbers = #tpu.dot_dimension_numbers<[1], [1], [0], [0], [0, 0, 1, 0], [], []>, transpose_lhs_hint = false} : vector<8x1024xf32>, vector<2048x1024xf32>, vector<8x2048xf32> -> vector<8x2048xf32>
    %swap3A = arith.constant 0 : index
    %swap3A_12 = arith.constant 0 : index
    %swap3A_13 = arith.constant 0 : index
    %swap3A_14 = vector.load %arg7[%swap3A, %swap3A_12, %swap3A_13] : memref<1x8x2048xf32, #tpu.memory_space<vmem>>, vector<1x8x2048xf32>
    %swap3A_15 = vector.shape_cast %swap3A_14 : vector<1x8x2048xf32> to vector<8x2048xf32>
    %swap3A_16 = vector.shape_cast %dot_general3A_11 : vector<8x2048xf32> to vector<1x8x2048xf32>
    tpu.vector_store %arg7[%swap3A, %swap3A_12, %swap3A_13], %swap3A_16 {strides = array<i32>} : memref<1x8x2048xf32, #tpu.memory_space<vmem>>, vector<1x8x2048xf32>,
    %dot_general3A_17 = arith.constant dense<0.000000e+00> : vector<8x1024xf32>
    %dot_general3A_18 = tpu.matmul %dot_general3A_11, %get3A_10, %dot_general3A_17 {dimension_numbers = #tpu.dot_dimension_numbers<[1], [0], [0], [1], [0, 0, 1, 1], [], []>, transpose_lhs_hint = false} : vector<8x2048xf32>, vector<2048x1024xf32>, vector<8x1024xf32> -> vector<8x1024xf32>
    %eq3A_19 = arith.constant 0 : i32
    %eq3A_20 = arith.cmpi eq, %arg1, %eq3A_19 : i32
    %convert_element_type3A_21 = arith.extui %eq3A_20 : i1 to i32
    %cond3A_22 = arith.constant 0 : i32
    %cond3A_23 = arith.cmpi ne, %convert_element_type3A_21, %cond3A_22 : i32
    scf.if %cond3A_23 {
      %swap3A_36 = arith.index_cast %arg0 : i32 to index
      %swap3A_37 = arith.constant 0 : index
      %swap3A_38 = arith.constant 0 : index
      %swap3A_39 = vector.load %arg10[%swap3A_36, %swap3A_37, %swap3A_38] : memref<4x8x1024xf32, #tpu.memory_space<vmem>>, vector<1x8x1024xf32>
      %swap3A_40 = vector.shape_cast %swap3A_39 : vector<1x8x1024xf32> to vector<8x1024xf32>
      %swap3A_41 = vector.shape_cast %dot_general3A_18 : vector<8x1024xf32> to vector<1x8x1024xf32>
      tpu.vector_store %arg10[%swap3A_36, %swap3A_37, %swap3A_38], %swap3A_41 {strides = array<i32>} : memref<4x8x1024xf32, #tpu.memory_space<vmem>>, vector<1x8x1024xf32>,
    } else {
    }
    %gt3A = arith.constant 0 : i32
    %gt3A_24 = arith.cmpi sgt, %arg1, %gt3A : i32
    %convert_element_type3A_25 = arith.extui %gt3A_24 : i1 to i32
    %cond3A_26 = arith.constant 0 : i32
    %cond3A_27 = arith.cmpi ne, %convert_element_type3A_25, %cond3A_26 : i32
    scf.if %cond3A_27 {
      %get3A_36 = arith.index_cast %arg0 : i32 to index
      %get3A_37 = arith.constant 0 : index
      %get3A_38 = arith.constant 0 : index
      %get3A_39 = vector.load %arg10[%get3A_36, %get3A_37, %get3A_38] : memref<4x8x1024xf32, #tpu.memory_space<vmem>>, vector<1x8x1024xf32>
      %get3A_40 = vector.shape_cast %get3A_39 : vector<1x8x1024xf32> to vector<8x1024xf32>
      %add3A = arith.addf %get3A_40, %dot_general3A_18 : vector<8x1024xf32>
      %swap3A_41 = arith.index_cast %arg0 : i32 to index
      %swap3A_42 = arith.constant 0 : index
      %swap3A_43 = arith.constant 0 : index
      %swap3A_44 = vector.load %arg10[%swap3A_41, %swap3A_42, %swap3A_43] : memref<4x8x1024xf32, #tpu.memory_space<vmem>>, vector<1x8x1024xf32>
      %swap3A_45 = vector.shape_cast %swap3A_44 : vector<1x8x1024xf32> to vector<8x1024xf32>
      %swap3A_46 = vector.shape_cast %add3A : vector<8x1024xf32> to vector<1x8x1024xf32>
      tpu.vector_store %arg10[%swap3A_41, %swap3A_42, %swap3A_43], %swap3A_46 {strides = array<i32>} : memref<4x8x1024xf32, #tpu.memory_space<vmem>>, vector<1x8x1024xf32>,
    } else {
    }
    %eq3A_28 = arith.constant 3 : i32
    %eq3A_29 = arith.cmpi eq, %arg0, %eq3A_28 : i32
    %eq3A_30 = arith.constant 0 : i32
    %eq3A_31 = arith.cmpi eq, %arg1, %eq3A_30 : i32
    %and3A_32 = arith.andi %eq3A_29, %eq3A_31 : i1
    %convert_element_type3A_33 = arith.extui %and3A_32 : i1 to i32
    %cond3A_34 = arith.constant 0 : i32
    %cond3A_35 = arith.cmpi ne, %convert_element_type3A_33, %cond3A_34 : i32
    scf.if %cond3A_35 {
      %get3A_36 = arith.constant 0 : index
      %get3A_37 = arith.constant 0 : index
      %get3A_38 = arith.constant 0 : index
      %get3A_39 = vector.load %arg10[%get3A_36, %get3A_37, %get3A_38] : memref<4x8x1024xf32, #tpu.memory_space<vmem>>, vector<4x1x1024xf32>
      %get3A_40 = vector.shape_cast %get3A_39 : vector<4x1x1024xf32> to vector<4x1024xf32>
      %get3A_41 = arith.constant 0 : index
      %get3A_42 = arith.constant 0 : index
      %get3A_43 = arith.constant 0 : index
      %get3A_44 = vector.load %arg5[%get3A_41, %get3A_42, %get3A_43] : memref<8x1024x256xf32, #tpu.memory_space<vmem>>, vector<1x1024x256xf32>
      %get3A_45 = vector.shape_cast %get3A_44 : vector<1x1024x256xf32> to vector<1024x256xf32>
      %dot_general3A_46 = arith.constant dense<0.000000e+00> : vector<4x256xf32>
      %dot_general3A_47 = tpu.matmul %get3A_40, %get3A_45, %dot_general3A_46 {dimension_numbers = #tpu.dot_dimension_numbers<[1], [0], [0], [1], [0, 0, 1, 1], [], []>, transpose_lhs_hint = false} : vector<4x1024xf32>, vector<1024x256xf32>, vector<4x256xf32> -> vector<4x256xf32>
      %swap3A_48 = arith.constant 0 : index
      %swap3A_49 = arith.constant 0 : index
      %swap3A_50 = arith.constant 0 : index
      %swap3A_51 = vector.load %arg8[%swap3A_48, %swap3A_49, %swap3A_50] : memref<4x8x256xf32, #tpu.memory_space<vmem>>, vector<4x1x256xf32>
      %swap3A_52 = vector.shape_cast %swap3A_51 : vector<4x1x256xf32> to vector<4x256xf32>
      %swap3A_53 = vector.shape_cast %dot_general3A_47 : vector<4x256xf32> to vector<4x1x256xf32>
      tpu.vector_store %arg8[%swap3A_48, %swap3A_49, %swap3A_50], %swap3A_53 {strides = array<i32>} : memref<4x8x256xf32, #tpu.memory_space<vmem>>, vector<4x1x256xf32>,
      %get3A_54 = arith.constant 0 : index
      %get3A_55 = arith.constant 1 : index
      %get3A_56 = arith.constant 0 : index
      %get3A_57 = vector.load %arg10[%get3A_54, %get3A_55, %get3A_56] : memref<4x8x1024xf32, #tpu.memory_space<vmem>>, vector<4x1x1024xf32>
      %get3A_58 = vector.shape_cast %get3A_57 : vector<4x1x1024xf32> to vector<4x1024xf32>
      %get3A_59 = arith.constant 1 : index
      %get3A_60 = arith.constant 0 : index
      %get3A_61 = arith.constant 0 : index
      %get3A_62 = vector.load %arg5[%get3A_59, %get3A_60, %get3A_61] : memref<8x1024x256xf32, #tpu.memory_space<vmem>>, vector<1x1024x256xf32>
      %get3A_63 = vector.shape_cast %get3A_62 : vector<1x1024x256xf32> to vector<1024x256xf32>
      %dot_general3A_64 = arith.constant dense<0.000000e+00> : vector<4x256xf32>
      %dot_general3A_65 = tpu.matmul %get3A_58, %get3A_63, %dot_general3A_64 {dimension_numbers = #tpu.dot_dimension_numbers<[1], [0], [0], [1], [0, 0, 1, 1], [], []>, transpose_lhs_hint = false} : vector<4x1024xf32>, vector<1024x256xf32>, vector<4x256xf32> -> vector<4x256xf32>
      %swap3A_66 = arith.constant 0 : index
      %swap3A_67 = arith.constant 1 : index
      %swap3A_68 = arith.constant 0 : index
      %swap3A_69 = vector.load %arg8[%swap3A_66, %swap3A_67, %swap3A_68] : memref<4x8x256xf32, #tpu.memory_space<vmem>>, vector<4x1x256xf32>
      %swap3A_70 = vector.shape_cast %swap3A_69 : vector<4x1x256xf32> to vector<4x256xf32>
      %swap3A_71 = vector.shape_cast %dot_general3A_65 : vector<4x256xf32> to vector<4x1x256xf32>
      tpu.vector_store %arg8[%swap3A_66, %swap3A_67, %swap3A_68], %swap3A_71 {strides = array<i32>} : memref<4x8x256xf32, #tpu.memory_space<vmem>>, vector<4x1x256xf32>,
      %get3A_72 = arith.constant 0 : index
      %get3A_73 = arith.constant 2 : index
      %get3A_74 = arith.constant 0 : index
      %get3A_75 = vector.load %arg10[%get3A_72, %get3A_73, %get3A_74] : memref<4x8x1024xf32, #tpu.memory_space<vmem>>, vector<4x1x1024xf32>
      %get3A_76 = vector.shape_cast %get3A_75 : vector<4x1x1024xf32> to vector<4x1024xf32>
      %get3A_77 = arith.constant 2 : index
      %get3A_78 = arith.constant 0 : index
      %get3A_79 = arith.constant 0 : index
      %get3A_80 = vector.load %arg5[%get3A_77, %get3A_78, %get3A_79] : memref<8x1024x256xf32, #tpu.memory_space<vmem>>, vector<1x1024x256xf32>
      %get3A_81 = vector.shape_cast %get3A_80 : vector<1x1024x256xf32> to vector<1024x256xf32>
      %dot_general3A_82 = arith.constant dense<0.000000e+00> : vector<4x256xf32>
      %dot_general3A_83 = tpu.matmul %get3A_76, %get3A_81, %dot_general3A_82 {dimension_numbers = #tpu.dot_dimension_numbers<[1], [0], [0], [1], [0, 0, 1, 1], [], []>, transpose_lhs_hint = false} : vector<4x1024xf32>, vector<1024x256xf32>, vector<4x256xf32> -> vector<4x256xf32>
      %swap3A_84 = arith.constant 0 : index
      %swap3A_85 = arith.constant 2 : index
      %swap3A_86 = arith.constant 0 : index
      %swap3A_87 = vector.load %arg8[%swap3A_84, %swap3A_85, %swap3A_86] : memref<4x8x256xf32, #tpu.memory_space<vmem>>, vector<4x1x256xf32>
      %swap3A_88 = vector.shape_cast %swap3A_87 : vector<4x1x256xf32> to vector<4x256xf32>
      %swap3A_89 = vector.shape_cast %dot_general3A_83 : vector<4x256xf32> to vector<4x1x256xf32>
      tpu.vector_store %arg8[%swap3A_84, %swap3A_85, %swap3A_86], %swap3A_89 {strides = array<i32>} : memref<4x8x256xf32, #tpu.memory_space<vmem>>, vector<4x1x256xf32>,
      %get3A_90 = arith.constant 0 : index
      %get3A_91 = arith.constant 3 : index
      %get3A_92 = arith.constant 0 : index
      %get3A_93 = vector.load %arg10[%get3A_90, %get3A_91, %get3A_92] : memref<4x8x1024xf32, #tpu.memory_space<vmem>>, vector<4x1x1024xf32>
      %get3A_94 = vector.shape_cast %get3A_93 : vector<4x1x1024xf32> to vector<4x1024xf32>
      %get3A_95 = arith.constant 3 : index
      %get3A_96 = arith.constant 0 : index
      %get3A_97 = arith.constant 0 : index
      %get3A_98 = vector.load %arg5[%get3A_95, %get3A_96, %get3A_97] : memref<8x1024x256xf32, #tpu.memory_space<vmem>>, vector<1x1024x256xf32>
      %get3A_99 = vector.shape_cast %get3A_98 : vector<1x1024x256xf32> to vector<1024x256xf32>
      %dot_general3A_100 = arith.constant dense<0.000000e+00> : vector<4x256xf32>
      %dot_general3A_101 = tpu.matmul %get3A_94, %get3A_99, %dot_general3A_100 {dimension_numbers = #tpu.dot_dimension_numbers<[1], [0], [0], [1], [0, 0, 1, 1], [], []>, transpose_lhs_hint = false} : vector<4x1024xf32>, vector<1024x256xf32>, vector<4x256xf32> -> vector<4x256xf32>
      %swap3A_102 = arith.constant 0 : index
      %swap3A_103 = arith.constant 3 : index
      %swap3A_104 = arith.constant 0 : index
      %swap3A_105 = vector.load %arg8[%swap3A_102, %swap3A_103, %swap3A_104] : memref<4x8x256xf32, #tpu.memory_space<vmem>>, vector<4x1x256xf32>
      %swap3A_106 = vector.shape_cast %swap3A_105 : vector<4x1x256xf32> to vector<4x256xf32>
      %swap3A_107 = vector.shape_cast %dot_general3A_101 : vector<4x256xf32> to vector<4x1x256xf32>
      tpu.vector_store %arg8[%swap3A_102, %swap3A_103, %swap3A_104], %swap3A_107 {strides = array<i32>} : memref<4x8x256xf32, #tpu.memory_space<vmem>>, vector<4x1x256xf32>,
      %get3A_108 = arith.constant 0 : index
      %get3A_109 = arith.constant 4 : index
      %get3A_110 = arith.constant 0 : index
      %get3A_111 = vector.load %arg10[%get3A_108, %get3A_109, %get3A_110] : memref<4x8x1024xf32, #tpu.memory_space<vmem>>, vector<4x1x1024xf32>
      %get3A_112 = vector.shape_cast %get3A_111 : vector<4x1x1024xf32> to vector<4x1024xf32>
      %get3A_113 = arith.constant 4 : index
      %get3A_114 = arith.constant 0 : index
      %get3A_115 = arith.constant 0 : index
      %get3A_116 = vector.load %arg5[%get3A_113, %get3A_114, %get3A_115] : memref<8x1024x256xf32, #tpu.memory_space<vmem>>, vector<1x1024x256xf32>
      %get3A_117 = vector.shape_cast %get3A_116 : vector<1x1024x256xf32> to vector<1024x256xf32>
      %dot_general3A_118 = arith.constant dense<0.000000e+00> : vector<4x256xf32>
      %dot_general3A_119 = tpu.matmul %get3A_112, %get3A_117, %dot_general3A_118 {dimension_numbers = #tpu.dot_dimension_numbers<[1], [0], [0], [1], [0, 0, 1, 1], [], []>, transpose_lhs_hint = false} : vector<4x1024xf32>, vector<1024x256xf32>, vector<4x256xf32> -> vector<4x256xf32>
      %swap3A_120 = arith.constant 0 : index
      %swap3A_121 = arith.constant 4 : index
      %swap3A_122 = arith.constant 0 : index
      %swap3A_123 = vector.load %arg8[%swap3A_120, %swap3A_121, %swap3A_122] : memref<4x8x256xf32, #tpu.memory_space<vmem>>, vector<4x1x256xf32>
      %swap3A_124 = vector.shape_cast %swap3A_123 : vector<4x1x256xf32> to vector<4x256xf32>
      %swap3A_125 = vector.shape_cast %dot_general3A_119 : vector<4x256xf32> to vector<4x1x256xf32>
      tpu.vector_store %arg8[%swap3A_120, %swap3A_121, %swap3A_122], %swap3A_125 {strides = array<i32>} : memref<4x8x256xf32, #tpu.memory_space<vmem>>, vector<4x1x256xf32>,
      %get3A_126 = arith.constant 0 : index
      %get3A_127 = arith.constant 5 : index
      %get3A_128 = arith.constant 0 : index
      %get3A_129 = vector.load %arg10[%get3A_126, %get3A_127, %get3A_128] : memref<4x8x1024xf32, #tpu.memory_space<vmem>>, vector<4x1x1024xf32>
      %get3A_130 = vector.shape_cast %get3A_129 : vector<4x1x1024xf32> to vector<4x1024xf32>
      %get3A_131 = arith.constant 5 : index
      %get3A_132 = arith.constant 0 : index
      %get3A_133 = arith.constant 0 : index
      %get3A_134 = vector.load %arg5[%get3A_131, %get3A_132, %get3A_133] : memref<8x1024x256xf32, #tpu.memory_space<vmem>>, vector<1x1024x256xf32>
      %get3A_135 = vector.shape_cast %get3A_134 : vector<1x1024x256xf32> to vector<1024x256xf32>
      %dot_general3A_136 = arith.constant dense<0.000000e+00> : vector<4x256xf32>
      %dot_general3A_137 = tpu.matmul %get3A_130, %get3A_135, %dot_general3A_136 {dimension_numbers = #tpu.dot_dimension_numbers<[1], [0], [0], [1], [0, 0, 1, 1], [], []>, transpose_lhs_hint = false} : vector<4x1024xf32>, vector<1024x256xf32>, vector<4x256xf32> -> vector<4x256xf32>
      %swap3A_138 = arith.constant 0 : index
      %swap3A_139 = arith.constant 5 : index
      %swap3A_140 = arith.constant 0 : index
      %swap3A_141 = vector.load %arg8[%swap3A_138, %swap3A_139, %swap3A_140] : memref<4x8x256xf32, #tpu.memory_space<vmem>>, vector<4x1x256xf32>
      %swap3A_142 = vector.shape_cast %swap3A_141 : vector<4x1x256xf32> to vector<4x256xf32>
      %swap3A_143 = vector.shape_cast %dot_general3A_137 : vector<4x256xf32> to vector<4x1x256xf32>
      tpu.vector_store %arg8[%swap3A_138, %swap3A_139, %swap3A_140], %swap3A_143 {strides = array<i32>} : memref<4x8x256xf32, #tpu.memory_space<vmem>>, vector<4x1x256xf32>,
      %get3A_144 = arith.constant 0 : index
      %get3A_145 = arith.constant 6 : index
      %get3A_146 = arith.constant 0 : index
      %get3A_147 = vector.load %arg10[%get3A_144, %get3A_145, %get3A_146] : memref<4x8x1024xf32, #tpu.memory_space<vmem>>, vector<4x1x1024xf32>
      %get3A_148 = vector.shape_cast %get3A_147 : vector<4x1x1024xf32> to vector<4x1024xf32>
      %get3A_149 = arith.constant 6 : index
      %get3A_150 = arith.constant 0 : index
      %get3A_151 = arith.constant 0 : index
      %get3A_152 = vector.load %arg5[%get3A_149, %get3A_150, %get3A_151] : memref<8x1024x256xf32, #tpu.memory_space<vmem>>, vector<1x1024x256xf32>
      %get3A_153 = vector.shape_cast %get3A_152 : vector<1x1024x256xf32> to vector<1024x256xf32>
      %dot_general3A_154 = arith.constant dense<0.000000e+00> : vector<4x256xf32>
      %dot_general3A_155 = tpu.matmul %get3A_148, %get3A_153, %dot_general3A_154 {dimension_numbers = #tpu.dot_dimension_numbers<[1], [0], [0], [1], [0, 0, 1, 1], [], []>, transpose_lhs_hint = false} : vector<4x1024xf32>, vector<1024x256xf32>, vector<4x256xf32> -> vector<4x256xf32>
      %swap3A_156 = arith.constant 0 : index
      %swap3A_157 = arith.constant 6 : index
      %swap3A_158 = arith.constant 0 : index
      %swap3A_159 = vector.load %arg8[%swap3A_156, %swap3A_157, %swap3A_158] : memref<4x8x256xf32, #tpu.memory_space<vmem>>, vector<4x1x256xf32>
      %swap3A_160 = vector.shape_cast %swap3A_159 : vector<4x1x256xf32> to vector<4x256xf32>
      %swap3A_161 = vector.shape_cast %dot_general3A_155 : vector<4x256xf32> to vector<4x1x256xf32>
      tpu.vector_store %arg8[%swap3A_156, %swap3A_157, %swap3A_158], %swap3A_161 {strides = array<i32>} : memref<4x8x256xf32, #tpu.memory_space<vmem>>, vector<4x1x256xf32>,
      %get3A_162 = arith.constant 0 : index
      %get3A_163 = arith.constant 7 : index
      %get3A_164 = arith.constant 0 : index
      %get3A_165 = vector.load %arg10[%get3A_162, %get3A_163, %get3A_164] : memref<4x8x1024xf32, #tpu.memory_space<vmem>>, vector<4x1x1024xf32>
      %get3A_166 = vector.shape_cast %get3A_165 : vector<4x1x1024xf32> to vector<4x1024xf32>
      %get3A_167 = arith.constant 7 : index
      %get3A_168 = arith.constant 0 : index
      %get3A_169 = arith.constant 0 : index
      %get3A_170 = vector.load %arg5[%get3A_167, %get3A_168, %get3A_169] : memref<8x1024x256xf32, #tpu.memory_space<vmem>>, vector<1x1024x256xf32>
      %get3A_171 = vector.shape_cast %get3A_170 : vector<1x1024x256xf32> to vector<1024x256xf32>
      %dot_general3A_172 = arith.constant dense<0.000000e+00> : vector<4x256xf32>
      %dot_general3A_173 = tpu.matmul %get3A_166, %get3A_171, %dot_general3A_172 {dimension_numbers = #tpu.dot_dimension_numbers<[1], [0], [0], [1], [0, 0, 1, 1], [], []>, transpose_lhs_hint = false} : vector<4x1024xf32>, vector<1024x256xf32>, vector<4x256xf32> -> vector<4x256xf32>
      %swap3A_174 = arith.constant 0 : index
      %swap3A_175 = arith.constant 7 : index
      %swap3A_176 = arith.constant 0 : index
      %swap3A_177 = vector.load %arg8[%swap3A_174, %swap3A_175, %swap3A_176] : memref<4x8x256xf32, #tpu.memory_space<vmem>>, vector<4x1x256xf32>
      %swap3A_178 = vector.shape_cast %swap3A_177 : vector<4x1x256xf32> to vector<4x256xf32>
      %swap3A_179 = vector.shape_cast %dot_general3A_173 : vector<4x256xf32> to vector<4x1x256xf32>
      tpu.vector_store %arg8[%swap3A_174, %swap3A_175, %swap3A_176], %swap3A_179 {strides = array<i32>} : memref<4x8x256xf32, #tpu.memory_space<vmem>>, vector<4x1x256xf32>,
    } else {
    }
    return
  }
  func.func @transform_0(%arg0: i32, %arg1: i32) -> (i32, i32, i32) {
    %c0_i32 = arith.constant 0 : i32
    %c0_i32_0 = arith.constant 0 : i32
    %c0_i32_1 = arith.constant 0 : i32
    %c0_i32_2 = arith.constant 0 : i32
    return %c0_i32, %c0_i32_0, %c0_i32_1 : i32, i32, i32
  }
  func.func @transform_1(%arg0: i32, %arg1: i32) -> (i32, i32, i32) {
    %c0_i32 = arith.constant 0 : i32
    %c0_i32_0 = arith.constant 0 : i32
    %c0_i32_1 = arith.constant 0 : i32
    %c0_i32_2 = arith.constant 0 : i32
    return %c0_i32, %c0_i32_0, %c0_i32_1 : i32, i32, i32
  }
  func.func @transform_2(%arg0: i32, %arg1: i32) -> (i32, i32, i32) {
    %c0_i32 = arith.constant 0 : i32
    %c0_i32_0 = arith.constant 0 : i32
    %c0_i32_1 = arith.constant 0 : i32
    %c0_i32_2 = arith.constant 0 : i32
    return %c0_i32, %c0_i32_0, %c0_i32_1 : i32, i32, i32
  }
  func.func @transform_3(%arg0: i32, %arg1: i32) -> (i32, i32, i32) {
    %c0_i32 = arith.constant 0 : i32
    %c0_i32_0 = arith.constant 0 : i32
    %c0_i32_1 = arith.constant 0 : i32
    %c0_i32_2 = arith.constant 0 : i32
    return %c0_i32, %c0_i32_0, %c0_i32_1 : i32, i32, i32
  }
  func.func @transform_4(%arg0: i32, %arg1: i32) -> (i32, i32, i32) {
    %c0_i32 = arith.constant 0 : i32
    %c0_i32_0 = arith.constant 0 : i32
    return %arg0, %arg1, %c0_i32 : i32, i32, i32
  }
  func.func @transform_5(%arg0: i32, %arg1: i32) -> (i32, i32, i32) {
    %c0_i32 = arith.constant 0 : i32
    %c0_i32_0 = arith.constant 0 : i32
    return %arg0, %c0_i32, %arg1 : i32, i32, i32
  }
  func.func @transform_6(%arg0: i32, %arg1: i32) -> (i32, i32, i32) {
    %c0_i32 = arith.constant 0 : i32
    %c0_i32_0 = arith.constant 0 : i32
    %c0_i32_1 = arith.constant 0 : i32
    %c0_i32_2 = arith.constant 0 : i32
    return %c0_i32, %c0_i32_0, %c0_i32_1 : i32, i32, i32
  }
}

</mosaic_0001>

<sc_bundles>
// kernel: kernel.4.cloned.1.call-start
scs
__scs_entry_jumppad:
0x0: {  	(pc) =	sbr.rel $0x88, $3  }
0x1: {  	(tag) =	ssettag $0x0;
	lr =	simm.s32 $0x1  }
0x2: {  	[smem:$0x3F9C] =	sst lr;
	_ =	strace $0xD0000000  }
0x3: {  	_ = 	snop  }
0x4: {  	_ = 	snop  }
0x5: {  	_ = 	snop  }
0x6: {  	_ = 	snop  }
0x7: {  	_ = 	snop  }
__scs_overlays_trampoline_lowered:
0x8: {  	[smem:$0x3FAB] =	sst s0  }
0x9: {  	[smem:$0x3FAC] =	sst s1  }
0xa: {  	[smem:$0x3FAD] =	sst s2  }
0xb: {  	[smem:$0x3FAE] =	sst s3  }
0xc: {  	[smem:$0x3FAF] =	sst s4  }
0xd: {  	[smem:$0x3FB0] =	sst s5  }
0xe: {  	[smem:$0x3FB1] =	sst s6  }
0xf: {  	[smem:$0x3FB2] =	sst s7  }
0x10: {  	[smem:$0x3FB3] =	sst s8  }
0x11: {  	[smem:$0x3FB4] =	sst s9;
	s0 =	simm.s32 @!p0 $0x0  }
0x12: {  	s1 =	sld [smem:$0x3F9A];
	s0 =	simm.s32 @p0 $0x1  }
0x13: {  	[smem:$0x3FB5] =	sst s0;
	s0 =	simm.s32 @!p1 $0x0  }
0x14: {  	s2 =	sld [smem:$0x3F99];
	s0 =	simm.s32 @p1 $0x1  }
0x15: {  	[smem:$0x3FB6] =	sst s0;
	s0 =	simm.s32 @!p2 $0x0  }
0x16: {  	s3 =	sld [smem:$0x3FDB];
	s0 =	simm.s32 @p2 $0x1  }
0x17: {  	s4 =	simm.s32 $0x1BF5;
	[smem:$0x3FB8] =	sst s0  }
0x18: {  	s0 =	sld [smem:$0x3F9B];
	_ =	swait.ge [sflag:s4], $0x0  }
0x19: {  	s7 =	sld [smem:$0x3F9C]  }
0x1a: {  	s8 =	sadd.s32 $0xFFFFE003, lr  }
0x1b: {  	s9 =	sadd.s32 $0xFFFFFEF7, lr;
	s5 =	simm.s32 $0xFFFFFFFF;
	p2 =	slt.u32 s8, $0xFFFFF086  }
0x1c: {  	p1 =	slt.u32 s9, $0xF7A;
	s5 =	simm.s32 @!p2 $0x0  }
0x1d: {  	s5 =	simm.s32 @p1 $0x1;
	p0 =	seq.s32 s7, s2  }
0x1e: {  	s7 =	smul.u32 @!p0 $0xF7A, s2;
	p2 =	seq.s32 @!p0 s5, $0x0  }
0x1f: {  	s9 =	smul.u32 $0xF7A, s1;
	s8 =	simm.s32 @!p0 $0x1BF5;
	p2 =	por !p2, p0  }
0x20: {  	[sflag:s8] =	ssyncset.s32 @!p0 $0xFFFFF086;
	s6 =	sadd.s32 @!p0 s3, s7;
	s7 =	simm.s32 @!p0 $0x108  }
0x21: {  	s3 =	sadd.s32 s3, s9;
	s6 =	sadd.s32 @!p0 $0x88, s6;
	s7 =	simm.s32 @p2 $0x1082  }
0x22: {  	[simem:s7], [sflag:s8] =	dma.local @!p0 [hbm:s6], $0xF7A  }
0x23: {  	s9 =	sor.u32 $0xD0000000, s2;
	s6 =	simm.s32 $0x108;
	_ =	swait.ge @!p0 [sflag:s8], $0x0  }
0x24: {  	s3 =	sadd.s32 $0x88, s3;
	s6 =	simm.s32 @!p1 $0x1082;
	[sflag:s4] =	ssyncset.s32 $0xFFFFF086  }
0x25: {  	[simem:s6], [sflag:s4] =	dma.local [hbm:s3], $0xF7A  }
0x26: {  	[smem:$0x3F9C] =	sst s1;
	(tag) =	ssettag s2;
	_ =	strace s9  }
0x27: {  	s1 =	sld [smem:$0x3FAC]  }
0x28: {  	s2 =	sld [smem:$0x3FAD]  }
0x29: {  	s4 =	sld [smem:$0x3FAF]  }
0x2a: {  	p0 =	seq.s32 s5, $0x0;
	s5 =	sld [smem:$0x3FB0]  }
0x2b: {  	s6 =	sld [smem:$0x3FB1]  }
0x2c: {  	s7 =	sld [smem:$0x3FB2]  }
0x2d: {  	s3 =	simm.s32 $0x108;
	s8 =	sld [smem:$0x3FB3]  }
0x2e: {  	s3 =	simm.s32 @!p0 $0x1082;
	s9 =	sld [smem:$0x3FB4]  }
0x2f: {  	lr =	sadd.s32 s0, s3;
	s0 =	sld [smem:$0x3FAB]  }
0x30: {  	s3 =	sld [smem:$0x3FAE]  }
0x31: {  	[smem:$0x3FB7] =	sst s10  }
0x32: {  	s10 =	sld [smem:$0x3FB5];
	_ =	sdelay $0x3  }
0x33: {  	p0 =	seq.s32 s10, $0x1;
	s10 =	sld [smem:$0x3FB7];
	_ =	sdelay $0x3  }
0x34: {  	[smem:$0x3FB7] =	sst s10  }
0x35: {  	s10 =	sld [smem:$0x3FB6];
	_ =	sdelay $0x3  }
0x36: {  	p1 =	seq.s32 s10, $0x1;
	s10 =	sld [smem:$0x3FB7];
	_ =	sdelay $0x3  }
0x37: {  	[smem:$0x3FB7] =	sst s10  }
0x38: {  	s10 =	sld [smem:$0x3FB8]  }
0x39: {  	_ = 	snop;
	(pc) =	sbr.ind lr, $3  }
0x3a: {  	_ = 	snop  }
0x3b: {  	_ = 	snop  }
0x3c: {  	p2 =	seq.s32 s10, $0x1;
	s10 =	sld [smem:$0x3FB7]  }
0x3d: {  	_ =	shalt  }
0x3e: {  	_ =	shalt  }
0x3f: {  	_ =	shalt  }
0x40: {  	_ =	shalt  }
0x41: {  	_ =	shalt  }
0x42: {  	_ =	shalt  }
0x43: {  	_ =	shalt  }
0x44: {  	_ =	shalt  }
0x45: {  	_ =	shalt  }
0x46: {  	_ =	shalt  }
0x47: {  	_ =	shalt  }
0x48: {  	_ =	shalt  }
0x49: {  	_ =	shalt  }
0x4a: {  	_ =	shalt  }
0x4b: {  	_ =	shalt  }
0x4c: {  	_ =	shalt  }
0x4d: {  	_ =	shalt  }
0x4e: {  	_ =	shalt  }
0x4f: {  	_ =	shalt  }
0x50: {  	_ =	shalt  }
0x51: {  	_ =	shalt  }
0x52: {  	_ =	shalt  }
0x53: {  	_ =	shalt  }
0x54: {  	_ =	shalt  }
0x55: {  	_ =	shalt  }
0x56: {  	_ =	shalt  }
0x57: {  	_ =	shalt  }
0x58: {  	_ =	shalt  }
0x59: {  	_ =	shalt  }
0x5a: {  	_ =	shalt  }
0x5b: {  	_ =	shalt  }
0x5c: {  	_ =	shalt  }
0x5d: {  	_ =	shalt  }
0x5e: {  	_ =	shalt  }
0x5f: {  	_ =	shalt  }
0x60: {  	_ =	shalt  }
0x61: {  	_ =	shalt  }
0x62: {  	_ =	shalt  }
0x63: {  	_ =	shalt  }
0x64: {  	_ =	shalt  }
0x65: {  	_ =	shalt  }
0x66: {  	_ =	shalt  }
0x67: {  	_ =	shalt  }
0x68: {  	_ =	shalt  }
0x69: {  	_ =	shalt  }
0x6a: {  	_ =	shalt  }
0x6b: {  	_ =	shalt  }
0x6c: {  	_ =	shalt  }
0x6d: {  	_ =	shalt  }
0x6e: {  	_ =	shalt  }
0x6f: {  	_ =	shalt  }
0x70: {  	_ =	shalt  }
0x71: {  	_ =	shalt  }
0x72: {  	_ =	shalt  }
0x73: {  	_ =	shalt  }
0x74: {  	_ =	shalt  }
0x75: {  	_ =	shalt  }
0x76: {  	_ =	shalt  }
0x77: {  	_ =	shalt  }
0x78: {  	_ =	shalt  }
0x79: {  	_ =	shalt  }
0x7a: {  	_ =	shalt  }
0x7b: {  	_ =	shalt  }
0x7c: {  	_ =	shalt  }
0x7d: {  	_ =	shalt  }
0x7e: {  	_ =	shalt  }
0x7f: {  	_ =	shalt  }
0x80: {  	_ =	shalt  }
0x81: {  	_ =	shalt  }
0x82: {  	_ =	shalt  }
0x83: {  	_ =	shalt  }
0x84: {  	_ =	shalt  }
0x85: {  	_ =	shalt  }
0x86: {  	_ =	shalt  }
0x87: {  	_ =	shalt  }
.Lfunc_end0:
.L_simem_size_0:
called_computation_lowered:
.L_overlay_start_0:
0x88: {  	s0 =	sld [smem:$0x3FD9]  }
0x89: {  	s1 =	sld [smem:$0x3FFE];
	_ =	sdelay $0x3  }
0x8a: {  	s0 =	sadd.s32 s1, s0  }
0x8b: {  	[smem:$0x3FC3] =	sst s0  }
0x8c: {  	_ = 	snop  }
0x8d: {  	s0 =	sld [smem:$0x3FD0];
	_ =	sdelay $0x2  }
0x8e: {  	s13 =	simm.s32 $0xA;
	s2 =	simm.s32 $0x10  }
0x8f: {  	[smem:s2], [sflag:s13] =	dma.local [hbm:s0], $0x1  }
0x90: {  	_ =	swait.eq [sflag:s13], $0x1  }
0x91: {  	[sflag:s13] =	ssyncset.done $0x0  }
0x92: {  	[sflag:s13] =	ssyncadd.s32 $0xFFFFFFFF  }
0x93: {  	s14 =	sld [smem:$0x14];
	(tm) =	ssettm $0x1  }
0x94: {  	s15 =	sld [smem:$0x3FFB];
	_ =	sdelay $0x3  }
0x95: {  	_ =	strace s15  }
0x96: {  	s1 =	sld [smem:$0x3FFC];
	_ =	sdelay $0x3  }
0x97: {  	_ =	strace s1  }
0x98: {  	s1 =	sld [smem:$0x3FFD];
	_ =	sdelay $0x3  }
0x99: {  	_ =	strace s1  }
0x9a: {  	_ =	strace $0x8FFFFFFF  }
0x9b: {  	s16 =	sld [smem:$0x3FDB];
	_ =	sdelay $0x1  }
0x9c: {  	s17 =	simm.s32 $_scs_section_size  }
0x9d: {  	s3 =	simm.s32 $_size__tile_overlayer_lowered;
	s4 =	simm.s32 $_tile_overlayer_lowered  }
0x9e: {  	s20 =	simm.s32 $0x1BFF;
	s19 =	sshll.u32 s4, $0x1;
	s1 =	sadd.s32 s17, s16  }
0x9f: {  	s5 =	simm.s32 $0x0;
	s18 =	sshll.u32 s3, $0x1;
	s3 =	sadd.s32 s19, s1  }
0xa0: {  	[timem:s5], [sflag:s20] =	dma.local [hbm:s3], s18  }
0xa1: {  	_ =	swait.ge [sflag:s20], s18  }
0xa2: {  	s2 =	ssub.s32 $0x0, s18;
	[sflag:s20] =	ssyncset.done $0x0  }
0xa3: {  	[sflag:s20] =	ssyncadd.s32 s2;
	_ =	sdelay $0x1  }
0xa4: {  	s21 =	simm.s32 $0x1B8B  }
0xa5: {  	_ =	swait.ge [sflag:s21], $0x1  }
0xa6: {  	[sflag:s21] =	ssyncset.done $0x0  }
0xa7: {  	s23 =	simm.s32 $0x1B8E;
	s22 =	sld [smem:$0x3FFE];
	[sflag:s21] =	ssyncadd.s32 $0xFFFFFFFF  }
0xa8: {  	s24 =	simm.s32 $execute0_lowered;
	[smem:$0x3FD2] =	sst s23  }
0xa9: {  	s3 =	sshll.u32 s24, $0x1;
	_ =	strace $0x80000046;
	[dreg:$0x1] =	wrdreg $0xFFFFFFFF  }
0xaa: {  	s25 =	simm.s32 $_size_execute0_lowered;
	s1 =	sadd.s32 s1, s3;
	[dreg:$0x0] =	wrdreg $0x0  }
0xab: {  	s3 =	sshll.u32 s25, $0x1;
	[dreg:$0x2] =	wrdreg s1  }
0xac: {  	[dreg:$0x3] =	wrdreg s3  }
0xad: {  	[dreg:$0x4] =	wrdreg $0xC0  }
0xae: {  	_ =	task [dreg:s5], $0x5FFFF  }
0xaf: {  	[dreg:$0x1] =	wrdreg $0xFFFFFFFF  }
0xb0: {  	[dreg:$0x0] =	wrdreg $0x60  }
0xb1: {  	[dreg:$0x2] =	wrdreg s22  }
0xb2: {  	[dreg:$0x3] =	wrdreg s14  }
0xb3: {  	[dreg:$0x4] =	wrdreg $0x9  }
0xb4: {  	_ =	task.clear_ibuf [dreg:s5], $0x5FFFF;
	_ =	strace $0x90000046  }
0xb5: {  	s26 =	simm.s32 $0x9;
	_ =	strace $0x80000048  }
0xb6: {  	_ =	swait.ge [sflag:s26], $0x1  }
0xb7: {  	[sflag:s26] =	ssyncadd.s32 $0xFFFFFFFF  }
0xb8: {  	_ =	strace $0x90000048  }
0xb9: {  	_ =	sfence  }
0xba: {  	s28 =	sld [smem:$0x0];
	_ =	sdelay $0x1  }
0xbb: {  	s29 =	srdreg.scid  }
0xbc: {  	s30 =	sshll.u32 s29, $0xD;
	s31 =	sshrl.u32 s29, $0x2  }
0xbd: {  	s2 =	sand.u32 $0x4000, s30;
	s1 =	sand.u32 $0x1, s29;
	s0 =	sadd.s32 s31, s28  }
0xbe: {  	s1 =	sor.u32 s2, s1;
	s0 =	sshll.u32 s0, $0x11  }
0xbf: {  	s0 =	sor.u32 s0, s1  }
0xc0: {  	s0 =	sadd.s32 $0x8F2B, s0  }
0xc1: {  	[sflag:s0] =	ssyncadd.remote.s32 $0x1  }
0xc2: {  	_ =	sfence.sel $0xFFFF  }
0xc3: {  	[dreg:$0x0] =	wrdreg $0xFFFFFFFF;
	(pc) =	sbr.abs _section_cstart, $3  }
0xc4: {  	[dreg:$0x1] =	wrdreg $0xFFFFFFFF  }
0xc5: {  	_ =	task.clear_ibuf [dreg:s5], $0x2FFFF;
	_ =	strace $0x9FFFFFFF  }
0xc6: {  	(tm) =	ssettm $0x7FFFFFFF  }
0xc7: {  	_ =	shalt  }
tec
execute0_lowered:
.L_overlay_start_1:
0x0: {  	(tag) =	ssettag $0x1  }
0x1: {  	s4 =	rddreg [dreg:$0x0]  }
0x2: {  	s2 =	rddreg [dreg:$0x1];
	s1 =	stileid.u32  }
0x3: {  	s0 =	rddreg [dreg:$0x2];
	s5 =	simm.s32 $0x0;
	s6 =	sshll.u32 s1, $0x1  }
0x4: {  	[smem:$0x7FF] =	sst s5;
	s3 =	sadd.s32 $0xE00, s4;
	s6 =	sand.u32 $0x10, s6  }
0x5: {  	s31 =	simm.s32 $0x1;
	_ =	strace $0x80000047;
	s7 =	sadd.s32 s3, s6  }
0x6: {  	[tilespmem:s5], [sflag:$0x1] =	stream.linear.gather [hbm4b:s7+s5], $0x80, $0x38;
	[tilespmem:$0x580] =	vst v63  }
0x7: {  	_ =	swait.ge [sflag:s31], $0x80  }
0x8: {  	[sflag:s31] =	ssyncset.done $0x0  }
0x9: {  	[sflag:s31] =	ssyncadd.s32 $0xFFFFFF80  }
0xa: {  	v0 =	vld [tilespmem:$0x0];
	_ =	sdelay $0x3  }
0xb: {  	v2 =	vmov s5  }
0xc: {  	v3 =	vperm.xlane v0, v2  }
0xd: {  	v1 =	vlaneseq.u32  }
0xe: {  	vm1 =	vlt.u32 v2, v1;
	vm0 =	veq.f32 v3, v0  }
0xf: {  	vm2 =	vlt.f32 v3, v0;
	vm0 =	vmand vm1, vm0  }
0x10: {  	s5 =	sadd.s32 $0x1000, s4;
	s4 =	sadd.s32 $0x1200, s4;
	s7 =	simm.s32 $0x1;
	v2 =	vimm.s32 $0x0;
	v3 =	vimm.s32 $0x0;
	vm0 =	vmor vm2, vm0  }
.LBB2_1:
0x11: {  	v4 =	vmov s7;
	p0 =	sne.s32 s7, $0xF;
	s7 =	sadd.s32 $0x1, s7;
	v5 =	vsel vm0, $0x1, v2  }
.Ltmp0:
0x12: {  	v6 =	vperm.xlane v0, v4;
	v3 =	vadd.s32 v5, v3;
	(pc) =	sbr.rel @p0 .LBB2_1-.Ltmp0, $4  }
0x13: {  	_ = 	snop  }
0x14: {  	vm1 =	vlt.u32 v4, v1;
	vm0 =	veq.f32 v6, v0  }
0x15: {  	vm2 =	vlt.f32 v6, v0;
	vm0 =	vmand vm1, vm0  }
0x16: {  	vm0 =	vmor vm2, vm0  }
0x17: {  	v1 =	vsel vm0, $0x1, v2  }
0x18: {  	v1 =	vadd.s32 v1, v3;
	_ =	sdelay $0x1  }
0x19: {  	s8 =	sand.u32 $0x7, s1  }
0x1a: {  	p0 =	sne.s32 s8, $0x0  }
0x1b: {  	s7 =	simm.s32 @!p0 $0x80  }
0x1c: {  	s9 =	simm.s32 @!p0 $0x100;
	[tilespmem:v1+s7+$0x0] =	vst.idx.msk @!p0 $0xffff, v0;
	v0 =	vlaneseq.u32 @!p0  }
0x1d: {  	s10 =	sadd.s32 @!p0 s5, s6;
	s11 =	simm.s32 @!p0 $0x0;
	[tilespmem:v1+s9+$0x0] =	vst.idx.msk @!p0 $0xffff, v0  }
0x1e: {  	[hbm4b:s10+s11] =	stream.linear.scatter @!p0 [tilespmem:s7], [sflag:$0x1], $0x80, $0x38;
	[tilespmem:$0x580] =	vst v63  }
0x1f: {  	s10 =	simm.s32 @!p0 $0x1  }
0x20: {  	s26 =	sshll.u32 s1, $0xA;
	_ =	swait.ge @!p0 [sflag:s10], $0x80  }
0x21: {  	s28 =	sshll.u32 s1, $0x7;
	s29 =	sor.u32 $0x10, s1;
	[sflag:s10] =	ssyncset.done @!p0 $0x0  }
0x22: {  	s30 =	sshll.u32 s29, $0x1;
	s6 =	sadd.s32 @!p0 s4, s6;
	[sflag:s10] =	ssyncadd.s32 @!p0 $0xFFFFFF80  }
0x23: {  	[hbm4b:s6+s11] =	stream.linear.scatter @!p0 [tilespmem:s9], [sflag:$0x1], $0x80, $0x38;
	[tilespmem:$0x580] =	vst v63  }
0x24: {  	v0 =	vmov s8;
	s8 =	simm.s32 $0x0;
	s6 =	sor.u32 s28, s26;
	s9 =	sshll.u32 s29, $0xA  }
0x25: {  	s11 =	sand.u32 $0x30, s30;
	s6 =	sand.u32 $0x2380, s6;
	s9 =	sor.u32 s28, s9  }
0x26: {  	vm15 =	vlt.s32 v1, $0x2;
	v1 =	vimm.s32 $0x0;
	_ =	swait.ge @!p0 [sflag:s10], $0x80;
	s4 =	sadd.s32 s4, s11;
	s6 =	sshrl.u32 s6, $0x3  }
0x27: {  	v1 =	vsel vm15, $0x3F800000, v1;
	s9 =	sand.u32 $0x6380, s9;
	[sflag:s10] =	ssyncset.done @!p0 $0x0;
	s7 =	sadd.s32 s2, s6  }
0x28: {  	v1 =	vperm.xlane v1, v0;
	s6 =	sadd.s32 s3, s11;
	s3 =	sadd.s32 s5, s11;
	s31 =	sshrl.u32 s9, $0x3  }
0x29: {  	[sflag:s10] =	ssyncadd.s32 @!p0 $0xFFFFFF80;
	s5 =	simm.s32 $0x40;
	s2 =	sadd.s32 s2, s31  }
.LBB2_3:
0x2a: {  	p1 =	sne.s32 s5, $0xFC0;
	[tilespmem:s8+$0x180] =	vst v1;
	s8 =	smov.u32 s5;
	s5 =	sadd.s32 $0x40, s5  }
.Ltmp1:
0x2b: {  	(pc) =	sbr.rel @p1 .LBB2_3-.Ltmp1, $2  }
0x2c: {  	_ =	sdelay $0x2  }
0x2d: {  	s8 =	sshra.s32 s8, $0x2  }
0x2e: {  	s5 =	simm.s32 $0x80  }
0x2f: {  	[tilespmem:s8+$0x180] =	vst v1;
	s29 =	simm.s32 $0x400;
	s9 =	simm.s32 $0x180;
	s30 =	simm.s32 $0x1  }
0x30: {  	[hbm4b:s7+s5] =	stream.strided.scatter [tilespmem:s9], [sflag:$0x1], $0x400, s29, s5, $0x38;
	[tilespmem:$0x580] =	vst v63  }
0x31: {  	_ =	swait.ge [sflag:s30], $0x400  }
0x32: {  	[sflag:s30] =	ssyncset.done $0x0  }
0x33: {  	s31 =	simm.s32 $0x0;
	[sflag:s30] =	ssyncadd.s32 $0xFFFFFC00  }
0x34: {  	[tilespmem:s31], [sflag:$0x1] =	stream.linear.gather [hbm4b:s6+s31], $0x80, $0x38;
	[tilespmem:$0x580] =	vst v63  }
0x35: {  	_ =	swait.ge [sflag:s30], $0x80  }
0x36: {  	[sflag:s30] =	ssyncset.done $0x0  }
0x37: {  	[sflag:s30] =	ssyncadd.s32 $0xFFFFFF80  }
0x38: {  	v1 =	vld [tilespmem:$0x0];
	_ =	sdelay $0x3  }
0x39: {  	v3 =	vmov s31  }
0x3a: {  	v4 =	vperm.xlane v1, v3  }
0x3b: {  	v2 =	vlaneseq.u32  }
0x3c: {  	vm1 =	vlt.u32 v3, v2;
	vm0 =	veq.f32 v4, v1  }
0x3d: {  	vm2 =	vlt.f32 v4, v1;
	vm0 =	vmand vm1, vm0  }
0x3e: {  	s5 =	simm.s32 $0x1;
	v3 =	vimm.s32 $0x0;
	v4 =	vimm.s32 $0x0;
	vm0 =	vmor vm2, vm0  }
.LBB2_5:
0x3f: {  	v5 =	vmov s5;
	p1 =	sne.s32 s5, $0xF;
	s5 =	sadd.s32 $0x1, s5;
	v6 =	vsel vm0, $0x1, v3  }
.Ltmp2:
0x40: {  	v7 =	vperm.xlane v1, v5;
	v4 =	vadd.s32 v6, v4;
	(pc) =	sbr.rel @p1 .LBB2_5-.Ltmp2, $4  }
0x41: {  	_ = 	snop  }
0x42: {  	vm1 =	vlt.u32 v5, v2;
	vm0 =	veq.f32 v7, v1  }
0x43: {  	vm2 =	vlt.f32 v7, v1;
	vm0 =	vmand vm1, vm0  }
0x44: {  	vm0 =	vmor vm2, vm0  }
0x45: {  	v2 =	vsel vm0, $0x1, v3  }
0x46: {  	v2 =	vadd.s32 v2, v4;
	_ =	sdelay $0x3  }
0x47: {  	s5 =	simm.s32 @!p0 $0x80  }
0x48: {  	s6 =	simm.s32 @!p0 $0x100;
	[tilespmem:v2+s5+$0x0] =	vst.idx.msk @!p0 $0xffff, v1;
	v1 =	vlaneseq.u32 @!p0  }
0x49: {  	s7 =	simm.s32 @!p0 $0x0;
	[tilespmem:v2+s6+$0x0] =	vst.idx.msk @!p0 $0xffff, v1  }
0x4a: {  	[hbm4b:s3+s7] =	stream.linear.scatter @!p0 [tilespmem:s5], [sflag:$0x1], $0x80, $0x38;
	[tilespmem:$0x580] =	vst v63  }
0x4b: {  	s3 =	simm.s32 @!p0 $0x1  }
0x4c: {  	_ =	swait.ge @!p0 [sflag:s3], $0x80  }
0x4d: {  	[sflag:s3] =	ssyncset.done @!p0 $0x0  }
0x4e: {  	[sflag:s3] =	ssyncadd.s32 @!p0 $0xFFFFFF80  }
0x4f: {  	vm15 =	vlt.s32 v2, $0x2;
	v1 =	vimm.s32 $0x0;
	[hbm4b:s4+s7] =	stream.linear.scatter @!p0 [tilespmem:s6], [sflag:$0x1], $0x80, $0x38;
	[tilespmem:$0x580] =	vst v63  }
0x50: {  	v1 =	vsel vm15, $0x3F800000, v1;
	_ =	swait.ge @!p0 [sflag:s3], $0x80  }
0x51: {  	v0 =	vperm.xlane v1, v0;
	[sflag:s3] =	ssyncset.done @!p0 $0x0  }
0x52: {  	s4 =	simm.s32 $0x0;
	[sflag:s3] =	ssyncadd.s32 @!p0 $0xFFFFFF80;
	s3 =	simm.s32 $0x40  }
.LBB2_7:
0x53: {  	p0 =	sne.s32 s3, $0xFC0;
	[tilespmem:s4+$0x180] =	vst v0;
	s4 =	smov.u32 s3;
	s3 =	sadd.s32 $0x40, s3  }
.Ltmp3:
0x54: {  	(pc) =	sbr.rel @p0 .LBB2_7-.Ltmp3, $2  }
0x55: {  	_ =	sdelay $0x2  }
0x56: {  	s4 =	sshra.s32 s4, $0x2  }
0x57: {  	s3 =	simm.s32 $0x80  }
0x58: {  	[tilespmem:s4+$0x180] =	vst v0;
	s30 =	simm.s32 $0x400;
	s5 =	simm.s32 $0x180;
	s31 =	simm.s32 $0x1  }
0x59: {  	[hbm4b:s2+s3] =	stream.strided.scatter [tilespmem:s5], [sflag:$0x1], $0x400, s30, s3, $0x38;
	[tilespmem:$0x580] =	vst v63  }
0x5a: {  	_ =	swait.ge [sflag:s31], $0x400  }
0x5b: {  	[sflag:s31] =	ssyncset.done $0x0  }
0x5c: {  	[sflag:s31] =	ssyncadd.s32 $0xFFFFFC00  }
0x5d: {  	_ =	sfence.sel $0x180000  }
0x5e: {  	[bflag:$0x0] =	sbarrier.arrive $0xFFFF  }
0x5f: {  	p0 =	sne.s32 s1, $0x0;
	_ =	strace $0x90000047  }
0x60: {  	s0 =	sadd.s32 @!p0 $0x100000, s0;
	[bflag:$0x2] =	sbarrier.arrive $0xFFFF  }
0x61: {  	[sflag:s0] =	ssyncadd.tile.s32 @!p0 $0x1;
	_ =	shalt  }
.Lfunc_end2:
_tile_overlayer_lowered:
.L_overlay_start_2:
0x62: {  	(tag) =	ssettag $0x2  }
0x63: {  	s0 =	rddreg [dreg:$0x0];
	s2 =	stileid.u32  }
0x64: {  	s1 =	rddreg [dreg:$0x1];
	p0 =	sne.s32 s2, $0x0  }
0x65: {  	s3 =	rddreg [dreg:$0x2];
	[bflag:$0x3] =	sbarrier.arrive $0xFFFF;
	s2 =	simm.s32 @!p0 $0x1C01  }
0x66: {  	[timem:s3], [sflag:s2] =	dma.local @!p0 [hbm:s0], s1  }
0x67: {  	s0 =	simm.s32 @!p0 $0x1  }
0x68: {  	_ =	swait.ge @!p0 [sflag:s0], s1  }
0x69: {  	s1 =	ssub.s32 @!p0 $0x0, s1;
	[sflag:s0] =	ssyncset.done @!p0 $0x0  }
0x6a: {  	[sflag:s0] =	ssyncadd.s32 @!p0 s1  }
0x6b: {  	[bflag:$0x3] =	sbarrier.arrive $0xFFFF  }
0x6c: {  	_ =	shalt  }

</sc_bundles>
